<compile_context>
chip_gen: v7x
topology: tpu7x:2x2x1
jax: 0.10.2.dev20260603
libtpu: 0.0.44.dev20260713+nightly
codegen_flags: <defaults>
</compile_context>

<pallas_src>
import functools

import jax
import jax.numpy as jnp
from jax import lax
from jax.experimental import pallas as pl
from jax.experimental.pallas import tpu as pltpu
from jax.experimental.pallas import tpu_sc as plsc

_INFO = plsc.get_sparse_core_info()
_NC = _INFO.num_cores
_NS = _INFO.num_subcores
_NW = _NC * _NS


@functools.lru_cache(maxsize=None)
def _make_gather(V, D, B):
    assert D % 8 == 0 and B % (_NW * 128) == 0
    b_per_w = B // _NW
    n_bt = b_per_w // 128
    n_rt = D // 8
    n_tiles = n_bt * n_rt
    n_f16 = b_per_w // 16

    mesh = plsc.VectorSubcoreMesh(core_axis_name="c", subcore_axis_name="s")

    @functools.partial(
        pl.kernel,
        mesh=mesh,
        out_type=jax.ShapeDtypeStruct((n_rt, B // 128, 8, 128), jnp.float32),
        scratch_types=[
            pltpu.VMEM((b_per_w,), jnp.int32),
            pltpu.VMEM((b_per_w, D), jnp.float32),
            pltpu.VMEM((2, 8, 128), jnp.float32),
            pltpu.SemaphoreType.DMA,
            pltpu.SemaphoreType.DMA,
        ],
        compiler_params=pltpu.CompilerParams(
            use_tc_tiling_on_sc=True, needs_layout_passes=False
        ),
    )
    def gather_kernel(table_hbm, idx_hbm, out_hbm, idx_v, rows_v, t4_v, sem_in, sem_out):
        wid = lax.axis_index("s") * _NC + lax.axis_index("c")
        base = wid * b_per_w
        cbase = wid * n_bt
        pltpu.sync_copy(idx_hbm.at[pl.ds(base, b_per_w)], idx_v)
        iota = lax.iota(jnp.int32, 16)

        def fetch16(i, _):
            vec = idx_v[pl.ds(i * 16, 16)]
            for j in range(16):
                v = vec[j]
                pltpu.async_copy(
                    table_hbm.at[pl.ds(v, 1), :],
                    rows_v.at[pl.ds(i * 16 + j, 1), :],
                    sem_in,
                )
            return 0

        lax.fori_loop(0, n_f16, fetch16, 0, unroll=False)
        pltpu.make_async_copy(
            table_hbm.at[pl.ds(0, b_per_w), :],
            rows_v,
            sem_in,
        ).wait()

        def emit_tile(t, _):
            jb = t // n_rt
            rr = t % n_rt
            buf = t % 2

            @pl.when(t >= 2)
            def _():
                pltpu.make_async_copy(
                    t4_v.at[0], out_hbm.at[0, 0], sem_out
                ).wait()

            for dr in range(8):
                cidx = iota * 0 + (rr * 8 + dr)
                for o0 in range(0, 128, 16):
                    ridx = jb * 128 + o0 + iota
                    vals = plsc.load_gather(rows_v, [ridx, cidx])
                    t4_v[buf, dr, pl.ds(o0, 16)] = vals

            pltpu.async_copy(t4_v.at[buf], out_hbm.at[rr, cbase + jb], sem_out)
            return 0

        lax.fori_loop(0, n_tiles, emit_tile, 0, unroll=False)
        pltpu.make_async_copy(t4_v.at[0], out_hbm.at[0, 0], sem_out).wait()
        pltpu.make_async_copy(t4_v.at[0], out_hbm.at[0, 0], sem_out).wait()

    return gather_kernel


def kernel(winding_indices, weight):
    B = winding_indices.shape[0]
    V, D = weight.shape
    fn = _make_gather(V, D, B)
    o4 = fn(weight, winding_indices)
    return o4.transpose(1, 3, 0, 2).reshape(B, D)

# --- scband reference (transcript-rebuilt; emitter-appended) ---
"""Pipeline reference for scband-resonant-winding-embedding-62801011802742 (READ-ONLY COPY).

The authoritative reference and input builder live on the scoring server;
editing this copy changes nothing except your own understanding.
"""

import jax, jax.numpy as jnp
import numpy as np
import math

PHI = (1 + math.sqrt(5)) / 2
MAX_N = 8
EMBED_DIM = 64
BATCH = 16384


def _enumerate_winding_norms(max_n):
    ns = np.arange(-max_n, max_n + 1)
    grid = np.stack(np.meshgrid(ns, ns, ns, ns, indexing='ij'), axis=-1).reshape(-1, 4)
    norms = (grid.astype(np.float32) ** 2).sum(axis=-1)
    return norms  # shape [(2*max_n+1)**4]


def setup_inputs(seed: int = 0) -> dict:
    key = jax.random.key(seed)
    k_w, k_idx = jax.random.split(key)
    mode_norms = jnp.asarray(_enumerate_winding_norms(MAX_N))  # [V]
    num_windings = mode_norms.shape[0]  # 83521 for max_n=8
    data = jax.random.normal(k_w, (num_windings, EMBED_DIM), dtype=jnp.float32)
    scales = jnp.exp(-mode_norms / (2 * PHI))[:, None]
    weight = data * (scales / math.sqrt(EMBED_DIM))
    winding_indices = jax.random.randint(k_idx, (BATCH,), 0, num_windings, dtype=jnp.int32)
    return {"winding_indices": winding_indices, "weight": weight}


def reference(winding_indices, weight):
    # torch.embedding(self.weight, idx_tensor) -> row gather from table
    return jnp.take(weight, winding_indices, axis=0)

if __name__ == "__main__":
    import jax
    _d = setup_inputs()
    print(jax.jit(kernel)(*tuple(_d.values())))

</pallas_src>

<mosaic_0001>
#map = affine_map<(d0, d1) -> (0, 0)>
#map1 = affine_map<(d0, d1) -> (0)>
#map2 = affine_map<(d0, d1) -> (0, 0, 0, 0)>
module attributes {stable_mosaic.version = 14 : i64} {
  func.func @gather_kernel(%arg0: i32, %arg1: i32, %arg2: memref<83521x64xf32, #tpu.memory_space<hbm>>, %arg3: memref<16384xi32, #tpu.memory_space<hbm>>, %arg4: memref<8x128x8x128xf32, #tpu.memory_space<hbm>>, %arg5: memref<512xi32, #tpu.memory_space<vmem>>, %arg6: memref<512x64xf32, #tpu.memory_space<vmem>>, %arg7: memref<2x8x128xf32, #tpu.memory_space<vmem>>, %arg8: memref<!tpu.dma_semaphore, #tpu.memory_space<semaphore_mem>>, %arg9: memref<!tpu.dma_semaphore, #tpu.memory_space<semaphore_mem>>) attributes {dimension_semantics = [#tpu.dimension_semantics<core_parallel>, #tpu.dimension_semantics<subcore_parallel>], iteration_bounds = array<i64: 2, 16>, scalar_prefetch = 0 : i64, scratch_operands = 5 : i64, tpu.core_type = #tpu.core_type<sc_vector_subcore>, window_params = [{transform_indices = #map}, {transform_indices = #map1}, {transform_indices = #map2}]} {
    %mul3A = arith.constant 2 : i32
    %mul3A_0 = arith.muli %arg1, %mul3A : i32
    %add3A = arith.addi %mul3A_0, %arg0 : i32
    %mul3A_1 = arith.constant 512 : i32
    %mul3A_2 = arith.muli %add3A, %mul3A_1 : i32
    %mul3A_3 = arith.constant 4 : i32
    %mul3A_4 = arith.muli %add3A, %mul3A_3 : i32
    "tpu.region"() ({
      %run_scoped3A = tpu.sem_alloc : memref<!tpu.dma_semaphore, #tpu.memory_space<semaphore_mem>>
      %dma_start3A = tpu.memref_slice %arg3[%mul3A_2] : memref<16384xi32, #tpu.memory_space<hbm>> -> memref<512xi32, #tpu.memory_space<hbm>>
      %dma_start3A_61 = tpu.memref_slice %arg3[%mul3A_2] : memref<16384xi32, #tpu.memory_space<hbm>> -> memref<512xi32, #tpu.memory_space<hbm>>
      tpu.enqueue_dma source(%dma_start3A_61 : memref<512xi32, #tpu.memory_space<hbm>>) target(%arg5 : memref<512xi32, #tpu.memory_space<vmem>>) target_semaphore(%run_scoped3A : memref<!tpu.dma_semaphore, #tpu.memory_space<semaphore_mem>>)
      %dma_wait3A_62 = tpu.memref_slice %arg3[%mul3A_2] : memref<16384xi32, #tpu.memory_space<hbm>> -> memref<512xi32, #tpu.memory_space<hbm>>
      %dma_wait3A_63 = tpu.memref_slice %arg3[%mul3A_2] : memref<16384xi32, #tpu.memory_space<hbm>> -> memref<512xi32, #tpu.memory_space<hbm>>
      tpu.wait_dma2 semaphore(%run_scoped3A : memref<!tpu.dma_semaphore, #tpu.memory_space<semaphore_mem>>) src(%dma_wait3A_63 : memref<512xi32, #tpu.memory_space<hbm>>) dst(%arg5 : memref<512xi32, #tpu.memory_space<vmem>>)
      tpu.yield
    }) : () -> ()
    %iota3A = tpu.iota {dimensions = array<i32: 0>} : vector<16xi32>
    %scan3A = arith.constant 0 : i32
    %scan3A_5 = arith.constant 0 : i32
    %scan3A_6 = arith.constant 32 : i32
    %scan3A_7 = arith.addi %scan3A_5, %scan3A_6 : i32
    %scan3A_8 = arith.constant 1 : i32
    %scan3A_9 = scf.for %scan3A_61 = %scan3A_5 to %scan3A_7 step %scan3A_8 iter_args(%scan3A_62 = %scan3A) -> (i32)  : i32 {
      %mul3A_63 = arith.constant 16 : i32
      %mul3A_64 = arith.muli %scan3A_61, %mul3A_63 : i32
      %get3A = arith.index_cast %mul3A_64 : i32 to index
      %get3A_65 = tpu.vector_load %arg5[%get3A] {strides = array<i32>} : memref<512xi32, #tpu.memory_space<vmem>>, vector<16xi32>,
      %slice3A = vector.extract_strided_slice %get3A_65 {offsets = [0], sizes = [1], strides = [1]} : vector<16xi32> to vector<1xi32>
      %squeeze3A = vector.extract %slice3A[0] : i32 from vector<1xi32>
      %mul3A_66 = arith.constant 16 : i32
      %mul3A_67 = arith.muli %scan3A_61, %mul3A_66 : i32
      %add3A_68 = arith.constant 0 : i32
      %add3A_69 = arith.addi %mul3A_67, %add3A_68 : i32
      %dma_start3A = arith.constant 0 : i32
      %dma_start3A_70 = tpu.memref_slice %arg6[%add3A_69, %dma_start3A] : memref<512x64xf32, #tpu.memory_space<vmem>> -> memref<1x64xf32, #tpu.memory_space<vmem>>
      %dma_start3A_71 = arith.constant 0 : i32
      %dma_start3A_72 = tpu.memref_slice %arg2[%squeeze3A, %dma_start3A_71] : memref<83521x64xf32, #tpu.memory_space<hbm>> -> memref<1x64xf32, #tpu.memory_space<hbm>>
      %dma_start3A_73 = arith.constant 0 : i32
      %dma_start3A_74 = tpu.memref_slice %arg6[%add3A_69, %dma_start3A_73] : memref<512x64xf32, #tpu.memory_space<vmem>> -> memref<1x64xf32, #tpu.memory_space<vmem>>
      %dma_start3A_75 = arith.constant 0 : i32
      %dma_start3A_76 = tpu.memref_slice %arg2[%squeeze3A, %dma_start3A_75] : memref<83521x64xf32, #tpu.memory_space<hbm>> -> memref<1x64xf32, #tpu.memory_space<hbm>>
      tpu.enqueue_dma source(%dma_start3A_76 : memref<1x64xf32, #tpu.memory_space<hbm>>) target(%dma_start3A_74 : memref<1x64xf32, #tpu.memory_space<vmem>>) target_semaphore(%arg8 : memref<!tpu.dma_semaphore, #tpu.memory_space<semaphore_mem>>)
      %slice3A_77 = vector.extract_strided_slice %get3A_65 {offsets = [1], sizes = [1], strides = [1]} : vector<16xi32> to vector<1xi32>
      %squeeze3A_78 = vector.extract %slice3A_77[0] : i32 from vector<1xi32>
      %mul3A_79 = arith.constant 16 : i32
      %mul3A_80 = arith.muli %scan3A_61, %mul3A_79 : i32
      %add3A_81 = arith.constant 1 : i32
      %add3A_82 = arith.addi %mul3A_80, %add3A_81 : i32
      %dma_start3A_83 = arith.constant 0 : i32
      %dma_start3A_84 = tpu.memref_slice %arg6[%add3A_82, %dma_start3A_83] : memref<512x64xf32, #tpu.memory_space<vmem>> -> memref<1x64xf32, #tpu.memory_space<vmem>>
      %dma_start3A_85 = arith.constant 0 : i32
      %dma_start3A_86 = tpu.memref_slice %arg2[%squeeze3A_78, %dma_start3A_85] : memref<83521x64xf32, #tpu.memory_space<hbm>> -> memref<1x64xf32, #tpu.memory_space<hbm>>
      %dma_start3A_87 = arith.constant 0 : i32
      %dma_start3A_88 = tpu.memref_slice %arg6[%add3A_82, %dma_start3A_87] : memref<512x64xf32, #tpu.memory_space<vmem>> -> memref<1x64xf32, #tpu.memory_space<vmem>>
      %dma_start3A_89 = arith.constant 0 : i32
      %dma_start3A_90 = tpu.memref_slice %arg2[%squeeze3A_78, %dma_start3A_89] : memref<83521x64xf32, #tpu.memory_space<hbm>> -> memref<1x64xf32, #tpu.memory_space<hbm>>
      tpu.enqueue_dma source(%dma_start3A_90 : memref<1x64xf32, #tpu.memory_space<hbm>>) target(%dma_start3A_88 : memref<1x64xf32, #tpu.memory_space<vmem>>) target_semaphore(%arg8 : memref<!tpu.dma_semaphore, #tpu.memory_space<semaphore_mem>>)
      %slice3A_91 = vector.extract_strided_slice %get3A_65 {offsets = [2], sizes = [1], strides = [1]} : vector<16xi32> to vector<1xi32>
      %squeeze3A_92 = vector.extract %slice3A_91[0] : i32 from vector<1xi32>
      %mul3A_93 = arith.constant 16 : i32
      %mul3A_94 = arith.muli %scan3A_61, %mul3A_93 : i32
      %add3A_95 = arith.constant 2 : i32
      %add3A_96 = arith.addi %mul3A_94, %add3A_95 : i32
      %dma_start3A_97 = arith.constant 0 : i32
      %dma_start3A_98 = tpu.memref_slice %arg6[%add3A_96, %dma_start3A_97] : memref<512x64xf32, #tpu.memory_space<vmem>> -> memref<1x64xf32, #tpu.memory_space<vmem>>
      %dma_start3A_99 = arith.constant 0 : i32
      %dma_start3A_100 = tpu.memref_slice %arg2[%squeeze3A_92, %dma_start3A_99] : memref<83521x64xf32, #tpu.memory_space<hbm>> -> memref<1x64xf32, #tpu.memory_space<hbm>>
      %dma_start3A_101 = arith.constant 0 : i32
      %dma_start3A_102 = tpu.memref_slice %arg6[%add3A_96, %dma_start3A_101] : memref<512x64xf32, #tpu.memory_space<vmem>> -> memref<1x64xf32, #tpu.memory_space<vmem>>
      %dma_start3A_103 = arith.constant 0 : i32
      %dma_start3A_104 = tpu.memref_slice %arg2[%squeeze3A_92, %dma_start3A_103] : memref<83521x64xf32, #tpu.memory_space<hbm>> -> memref<1x64xf32, #tpu.memory_space<hbm>>
      tpu.enqueue_dma source(%dma_start3A_104 : memref<1x64xf32, #tpu.memory_space<hbm>>) target(%dma_start3A_102 : memref<1x64xf32, #tpu.memory_space<vmem>>) target_semaphore(%arg8 : memref<!tpu.dma_semaphore, #tpu.memory_space<semaphore_mem>>)
      %slice3A_105 = vector.extract_strided_slice %get3A_65 {offsets = [3], sizes = [1], strides = [1]} : vector<16xi32> to vector<1xi32>
      %squeeze3A_106 = vector.extract %slice3A_105[0] : i32 from vector<1xi32>
      %mul3A_107 = arith.constant 16 : i32
      %mul3A_108 = arith.muli %scan3A_61, %mul3A_107 : i32
      %add3A_109 = arith.constant 3 : i32
      %add3A_110 = arith.addi %mul3A_108, %add3A_109 : i32
      %dma_start3A_111 = arith.constant 0 : i32
      %dma_start3A_112 = tpu.memref_slice %arg6[%add3A_110, %dma_start3A_111] : memref<512x64xf32, #tpu.memory_space<vmem>> -> memref<1x64xf32, #tpu.memory_space<vmem>>
      %dma_start3A_113 = arith.constant 0 : i32
      %dma_start3A_114 = tpu.memref_slice %arg2[%squeeze3A_106, %dma_start3A_113] : memref<83521x64xf32, #tpu.memory_space<hbm>> -> memref<1x64xf32, #tpu.memory_space<hbm>>
      %dma_start3A_115 = arith.constant 0 : i32
      %dma_start3A_116 = tpu.memref_slice %arg6[%add3A_110, %dma_start3A_115] : memref<512x64xf32, #tpu.memory_space<vmem>> -> memref<1x64xf32, #tpu.memory_space<vmem>>
      %dma_start3A_117 = arith.constant 0 : i32
      %dma_start3A_118 = tpu.memref_slice %arg2[%squeeze3A_106, %dma_start3A_117] : memref<83521x64xf32, #tpu.memory_space<hbm>> -> memref<1x64xf32, #tpu.memory_space<hbm>>
      tpu.enqueue_dma source(%dma_start3A_118 : memref<1x64xf32, #tpu.memory_space<hbm>>) target(%dma_start3A_116 : memref<1x64xf32, #tpu.memory_space<vmem>>) target_semaphore(%arg8 : memref<!tpu.dma_semaphore, #tpu.memory_space<semaphore_mem>>)
      %slice3A_119 = vector.extract_strided_slice %get3A_65 {offsets = [4], sizes = [1], strides = [1]} : vector<16xi32> to vector<1xi32>
      %squeeze3A_120 = vector.extract %slice3A_119[0] : i32 from vector<1xi32>
      %mul3A_121 = arith.constant 16 : i32
      %mul3A_122 = arith.muli %scan3A_61, %mul3A_121 : i32
      %add3A_123 = arith.constant 4 : i32
      %add3A_124 = arith.addi %mul3A_122, %add3A_123 : i32
      %dma_start3A_125 = arith.constant 0 : i32
      %dma_start3A_126 = tpu.memref_slice %arg6[%add3A_124, %dma_start3A_125] : memref<512x64xf32, #tpu.memory_space<vmem>> -> memref<1x64xf32, #tpu.memory_space<vmem>>
      %dma_start3A_127 = arith.constant 0 : i32
      %dma_start3A_128 = tpu.memref_slice %arg2[%squeeze3A_120, %dma_start3A_127] : memref<83521x64xf32, #tpu.memory_space<hbm>> -> memref<1x64xf32, #tpu.memory_space<hbm>>
      %dma_start3A_129 = arith.constant 0 : i32
      %dma_start3A_130 = tpu.memref_slice %arg6[%add3A_124, %dma_start3A_129] : memref<512x64xf32, #tpu.memory_space<vmem>> -> memref<1x64xf32, #tpu.memory_space<vmem>>
      %dma_start3A_131 = arith.constant 0 : i32
      %dma_start3A_132 = tpu.memref_slice %arg2[%squeeze3A_120, %dma_start3A_131] : memref<83521x64xf32, #tpu.memory_space<hbm>> -> memref<1x64xf32, #tpu.memory_space<hbm>>
      tpu.enqueue_dma source(%dma_start3A_132 : memref<1x64xf32, #tpu.memory_space<hbm>>) target(%dma_start3A_130 : memref<1x64xf32, #tpu.memory_space<vmem>>) target_semaphore(%arg8 : memref<!tpu.dma_semaphore, #tpu.memory_space<semaphore_mem>>)
      %slice3A_133 = vector.extract_strided_slice %get3A_65 {offsets = [5], sizes = [1], strides = [1]} : vector<16xi32> to vector<1xi32>
      %squeeze3A_134 = vector.extract %slice3A_133[0] : i32 from vector<1xi32>
      %mul3A_135 = arith.constant 16 : i32
      %mul3A_136 = arith.muli %scan3A_61, %mul3A_135 : i32
      %add3A_137 = arith.constant 5 : i32
      %add3A_138 = arith.addi %mul3A_136, %add3A_137 : i32
      %dma_start3A_139 = arith.constant 0 : i32
      %dma_start3A_140 = tpu.memref_slice %arg6[%add3A_138, %dma_start3A_139] : memref<512x64xf32, #tpu.memory_space<vmem>> -> memref<1x64xf32, #tpu.memory_space<vmem>>
      %dma_start3A_141 = arith.constant 0 : i32
      %dma_start3A_142 = tpu.memref_slice %arg2[%squeeze3A_134, %dma_start3A_141] : memref<83521x64xf32, #tpu.memory_space<hbm>> -> memref<1x64xf32, #tpu.memory_space<hbm>>
      %dma_start3A_143 = arith.constant 0 : i32
      %dma_start3A_144 = tpu.memref_slice %arg6[%add3A_138, %dma_start3A_143] : memref<512x64xf32, #tpu.memory_space<vmem>> -> memref<1x64xf32, #tpu.memory_space<vmem>>
      %dma_start3A_145 = arith.constant 0 : i32
      %dma_start3A_146 = tpu.memref_slice %arg2[%squeeze3A_134, %dma_start3A_145] : memref<83521x64xf32, #tpu.memory_space<hbm>> -> memref<1x64xf32, #tpu.memory_space<hbm>>
      tpu.enqueue_dma source(%dma_start3A_146 : memref<1x64xf32, #tpu.memory_space<hbm>>) target(%dma_start3A_144 : memref<1x64xf32, #tpu.memory_space<vmem>>) target_semaphore(%arg8 : memref<!tpu.dma_semaphore, #tpu.memory_space<semaphore_mem>>)
      %slice3A_147 = vector.extract_strided_slice %get3A_65 {offsets = [6], sizes = [1], strides = [1]} : vector<16xi32> to vector<1xi32>
      %squeeze3A_148 = vector.extract %slice3A_147[0] : i32 from vector<1xi32>
      %mul3A_149 = arith.constant 16 : i32
      %mul3A_150 = arith.muli %scan3A_61, %mul3A_149 : i32
      %add3A_151 = arith.constant 6 : i32
      %add3A_152 = arith.addi %mul3A_150, %add3A_151 : i32
      %dma_start3A_153 = arith.constant 0 : i32
      %dma_start3A_154 = tpu.memref_slice %arg6[%add3A_152, %dma_start3A_153] : memref<512x64xf32, #tpu.memory_space<vmem>> -> memref<1x64xf32, #tpu.memory_space<vmem>>
      %dma_start3A_155 = arith.constant 0 : i32
      %dma_start3A_156 = tpu.memref_slice %arg2[%squeeze3A_148, %dma_start3A_155] : memref<83521x64xf32, #tpu.memory_space<hbm>> -> memref<1x64xf32, #tpu.memory_space<hbm>>
      %dma_start3A_157 = arith.constant 0 : i32
      %dma_start3A_158 = tpu.memref_slice %arg6[%add3A_152, %dma_start3A_157] : memref<512x64xf32, #tpu.memory_space<vmem>> -> memref<1x64xf32, #tpu.memory_space<vmem>>
      %dma_start3A_159 = arith.constant 0 : i32
      %dma_start3A_160 = tpu.memref_slice %arg2[%squeeze3A_148, %dma_start3A_159] : memref<83521x64xf32, #tpu.memory_space<hbm>> -> memref<1x64xf32, #tpu.memory_space<hbm>>
      tpu.enqueue_dma source(%dma_start3A_160 : memref<1x64xf32, #tpu.memory_space<hbm>>) target(%dma_start3A_158 : memref<1x64xf32, #tpu.memory_space<vmem>>) target_semaphore(%arg8 : memref<!tpu.dma_semaphore, #tpu.memory_space<semaphore_mem>>)
      %slice3A_161 = vector.extract_strided_slice %get3A_65 {offsets = [7], sizes = [1], strides = [1]} : vector<16xi32> to vector<1xi32>
      %squeeze3A_162 = vector.extract %slice3A_161[0] : i32 from vector<1xi32>
      %mul3A_163 = arith.constant 16 : i32
      %mul3A_164 = arith.muli %scan3A_61, %mul3A_163 : i32
      %add3A_165 = arith.constant 7 : i32
      %add3A_166 = arith.addi %mul3A_164, %add3A_165 : i32
      %dma_start3A_167 = arith.constant 0 : i32
      %dma_start3A_168 = tpu.memref_slice %arg6[%add3A_166, %dma_start3A_167] : memref<512x64xf32, #tpu.memory_space<vmem>> -> memref<1x64xf32, #tpu.memory_space<vmem>>
      %dma_start3A_169 = arith.constant 0 : i32
      %dma_start3A_170 = tpu.memref_slice %arg2[%squeeze3A_162, %dma_start3A_169] : memref<83521x64xf32, #tpu.memory_space<hbm>> -> memref<1x64xf32, #tpu.memory_space<hbm>>
      %dma_start3A_171 = arith.constant 0 : i32
      %dma_start3A_172 = tpu.memref_slice %arg6[%add3A_166, %dma_start3A_171] : memref<512x64xf32, #tpu.memory_space<vmem>> -> memref<1x64xf32, #tpu.memory_space<vmem>>
      %dma_start3A_173 = arith.constant 0 : i32
      %dma_start3A_174 = tpu.memref_slice %arg2[%squeeze3A_162, %dma_start3A_173] : memref<83521x64xf32, #tpu.memory_space<hbm>> -> memref<1x64xf32, #tpu.memory_space<hbm>>
      tpu.enqueue_dma source(%dma_start3A_174 : memref<1x64xf32, #tpu.memory_space<hbm>>) target(%dma_start3A_172 : memref<1x64xf32, #tpu.memory_space<vmem>>) target_semaphore(%arg8 : memref<!tpu.dma_semaphore, #tpu.memory_space<semaphore_mem>>)
      %slice3A_175 = vector.extract_strided_slice %get3A_65 {offsets = [8], sizes = [1], strides = [1]} : vector<16xi32> to vector<1xi32>
      %squeeze3A_176 = vector.extract %slice3A_175[0] : i32 from vector<1xi32>
      %mul3A_177 = arith.constant 16 : i32
      %mul3A_178 = arith.muli %scan3A_61, %mul3A_177 : i32
      %add3A_179 = arith.constant 8 : i32
      %add3A_180 = arith.addi %mul3A_178, %add3A_179 : i32
      %dma_start3A_181 = arith.constant 0 : i32
      %dma_start3A_182 = tpu.memref_slice %arg6[%add3A_180, %dma_start3A_181] : memref<512x64xf32, #tpu.memory_space<vmem>> -> memref<1x64xf32, #tpu.memory_space<vmem>>
      %dma_start3A_183 = arith.constant 0 : i32
      %dma_start3A_184 = tpu.memref_slice %arg2[%squeeze3A_176, %dma_start3A_183] : memref<83521x64xf32, #tpu.memory_space<hbm>> -> memref<1x64xf32, #tpu.memory_space<hbm>>
      %dma_start3A_185 = arith.constant 0 : i32
      %dma_start3A_186 = tpu.memref_slice %arg6[%add3A_180, %dma_start3A_185] : memref<512x64xf32, #tpu.memory_space<vmem>> -> memref<1x64xf32, #tpu.memory_space<vmem>>
      %dma_start3A_187 = arith.constant 0 : i32
      %dma_start3A_188 = tpu.memref_slice %arg2[%squeeze3A_176, %dma_start3A_187] : memref<83521x64xf32, #tpu.memory_space<hbm>> -> memref<1x64xf32, #tpu.memory_space<hbm>>
      tpu.enqueue_dma source(%dma_start3A_188 : memref<1x64xf32, #tpu.memory_space<hbm>>) target(%dma_start3A_186 : memref<1x64xf32, #tpu.memory_space<vmem>>) target_semaphore(%arg8 : memref<!tpu.dma_semaphore, #tpu.memory_space<semaphore_mem>>)
      %slice3A_189 = vector.extract_strided_slice %get3A_65 {offsets = [9], sizes = [1], strides = [1]} : vector<16xi32> to vector<1xi32>
      %squeeze3A_190 = vector.extract %slice3A_189[0] : i32 from vector<1xi32>
      %mul3A_191 = arith.constant 16 : i32
      %mul3A_192 = arith.muli %scan3A_61, %mul3A_191 : i32
      %add3A_193 = arith.constant 9 : i32
      %add3A_194 = arith.addi %mul3A_192, %add3A_193 : i32
      %dma_start3A_195 = arith.constant 0 : i32
      %dma_start3A_196 = tpu.memref_slice %arg6[%add3A_194, %dma_start3A_195] : memref<512x64xf32, #tpu.memory_space<vmem>> -> memref<1x64xf32, #tpu.memory_space<vmem>>
      %dma_start3A_197 = arith.constant 0 : i32
      %dma_start3A_198 = tpu.memref_slice %arg2[%squeeze3A_190, %dma_start3A_197] : memref<83521x64xf32, #tpu.memory_space<hbm>> -> memref<1x64xf32, #tpu.memory_space<hbm>>
      %dma_start3A_199 = arith.constant 0 : i32
      %dma_start3A_200 = tpu.memref_slice %arg6[%add3A_194, %dma_start3A_199] : memref<512x64xf32, #tpu.memory_space<vmem>> -> memref<1x64xf32, #tpu.memory_space<vmem>>
      %dma_start3A_201 = arith.constant 0 : i32
      %dma_start3A_202 = tpu.memref_slice %arg2[%squeeze3A_190, %dma_start3A_201] : memref<83521x64xf32, #tpu.memory_space<hbm>> -> memref<1x64xf32, #tpu.memory_space<hbm>>
      tpu.enqueue_dma source(%dma_start3A_202 : memref<1x64xf32, #tpu.memory_space<hbm>>) target(%dma_start3A_200 : memref<1x64xf32, #tpu.memory_space<vmem>>) target_semaphore(%arg8 : memref<!tpu.dma_semaphore, #tpu.memory_space<semaphore_mem>>)
      %slice3A_203 = vector.extract_strided_slice %get3A_65 {offsets = [10], sizes = [1], strides = [1]} : vector<16xi32> to vector<1xi32>
      %squeeze3A_204 = vector.extract %slice3A_203[0] : i32 from vector<1xi32>
      %mul3A_205 = arith.constant 16 : i32
      %mul3A_206 = arith.muli %scan3A_61, %mul3A_205 : i32
      %add3A_207 = arith.constant 10 : i32
      %add3A_208 = arith.addi %mul3A_206, %add3A_207 : i32
      %dma_start3A_209 = arith.constant 0 : i32
      %dma_start3A_210 = tpu.memref_slice %arg6[%add3A_208, %dma_start3A_209] : memref<512x64xf32, #tpu.memory_space<vmem>> -> memref<1x64xf32, #tpu.memory_space<vmem>>
      %dma_start3A_211 = arith.constant 0 : i32
      %dma_start3A_212 = tpu.memref_slice %arg2[%squeeze3A_204, %dma_start3A_211] : memref<83521x64xf32, #tpu.memory_space<hbm>> -> memref<1x64xf32, #tpu.memory_space<hbm>>
      %dma_start3A_213 = arith.constant 0 : i32
      %dma_start3A_214 = tpu.memref_slice %arg6[%add3A_208, %dma_start3A_213] : memref<512x64xf32, #tpu.memory_space<vmem>> -> memref<1x64xf32, #tpu.memory_space<vmem>>
      %dma_start3A_215 = arith.constant 0 : i32
      %dma_start3A_216 = tpu.memref_slice %arg2[%squeeze3A_204, %dma_start3A_215] : memref<83521x64xf32, #tpu.memory_space<hbm>> -> memref<1x64xf32, #tpu.memory_space<hbm>>
      tpu.enqueue_dma source(%dma_start3A_216 : memref<1x64xf32, #tpu.memory_space<hbm>>) target(%dma_start3A_214 : memref<1x64xf32, #tpu.memory_space<vmem>>) target_semaphore(%arg8 : memref<!tpu.dma_semaphore, #tpu.memory_space<semaphore_mem>>)
      %slice3A_217 = vector.extract_strided_slice %get3A_65 {offsets = [11], sizes = [1], strides = [1]} : vector<16xi32> to vector<1xi32>
      %squeeze3A_218 = vector.extract %slice3A_217[0] : i32 from vector<1xi32>
      %mul3A_219 = arith.constant 16 : i32
      %mul3A_220 = arith.muli %scan3A_61, %mul3A_219 : i32
      %add3A_221 = arith.constant 11 : i32
      %add3A_222 = arith.addi %mul3A_220, %add3A_221 : i32
      %dma_start3A_223 = arith.constant 0 : i32
      %dma_start3A_224 = tpu.memref_slice %arg6[%add3A_222, %dma_start3A_223] : memref<512x64xf32, #tpu.memory_space<vmem>> -> memref<1x64xf32, #tpu.memory_space<vmem>>
      %dma_start3A_225 = arith.constant 0 : i32
      %dma_start3A_226 = tpu.memref_slice %arg2[%squeeze3A_218, %dma_start3A_225] : memref<83521x64xf32, #tpu.memory_space<hbm>> -> memref<1x64xf32, #tpu.memory_space<hbm>>
      %dma_start3A_227 = arith.constant 0 : i32
      %dma_start3A_228 = tpu.memref_slice %arg6[%add3A_222, %dma_start3A_227] : memref<512x64xf32, #tpu.memory_space<vmem>> -> memref<1x64xf32, #tpu.memory_space<vmem>>
      %dma_start3A_229 = arith.constant 0 : i32
      %dma_start3A_230 = tpu.memref_slice %arg2[%squeeze3A_218, %dma_start3A_229] : memref<83521x64xf32, #tpu.memory_space<hbm>> -> memref<1x64xf32, #tpu.memory_space<hbm>>
      tpu.enqueue_dma source(%dma_start3A_230 : memref<1x64xf32, #tpu.memory_space<hbm>>) target(%dma_start3A_228 : memref<1x64xf32, #tpu.memory_space<vmem>>) target_semaphore(%arg8 : memref<!tpu.dma_semaphore, #tpu.memory_space<semaphore_mem>>)
      %slice3A_231 = vector.extract_strided_slice %get3A_65 {offsets = [12], sizes = [1], strides = [1]} : vector<16xi32> to vector<1xi32>
      %squeeze3A_232 = vector.extract %slice3A_231[0] : i32 from vector<1xi32>
      %mul3A_233 = arith.constant 16 : i32
      %mul3A_234 = arith.muli %scan3A_61, %mul3A_233 : i32
      %add3A_235 = arith.constant 12 : i32
      %add3A_236 = arith.addi %mul3A_234, %add3A_235 : i32
      %dma_start3A_237 = arith.constant 0 : i32
      %dma_start3A_238 = tpu.memref_slice %arg6[%add3A_236, %dma_start3A_237] : memref<512x64xf32, #tpu.memory_space<vmem>> -> memref<1x64xf32, #tpu.memory_space<vmem>>
      %dma_start3A_239 = arith.constant 0 : i32
      %dma_start3A_240 = tpu.memref_slice %arg2[%squeeze3A_232, %dma_start3A_239] : memref<83521x64xf32, #tpu.memory_space<hbm>> -> memref<1x64xf32, #tpu.memory_space<hbm>>
      %dma_start3A_241 = arith.constant 0 : i32
      %dma_start3A_242 = tpu.memref_slice %arg6[%add3A_236, %dma_start3A_241] : memref<512x64xf32, #tpu.memory_space<vmem>> -> memref<1x64xf32, #tpu.memory_space<vmem>>
      %dma_start3A_243 = arith.constant 0 : i32
      %dma_start3A_244 = tpu.memref_slice %arg2[%squeeze3A_232, %dma_start3A_243] : memref<83521x64xf32, #tpu.memory_space<hbm>> -> memref<1x64xf32, #tpu.memory_space<hbm>>
      tpu.enqueue_dma source(%dma_start3A_244 : memref<1x64xf32, #tpu.memory_space<hbm>>) target(%dma_start3A_242 : memref<1x64xf32, #tpu.memory_space<vmem>>) target_semaphore(%arg8 : memref<!tpu.dma_semaphore, #tpu.memory_space<semaphore_mem>>)
      %slice3A_245 = vector.extract_strided_slice %get3A_65 {offsets = [13], sizes = [1], strides = [1]} : vector<16xi32> to vector<1xi32>
      %squeeze3A_246 = vector.extract %slice3A_245[0] : i32 from vector<1xi32>
      %mul3A_247 = arith.constant 16 : i32
      %mul3A_248 = arith.muli %scan3A_61, %mul3A_247 : i32
      %add3A_249 = arith.constant 13 : i32
      %add3A_250 = arith.addi %mul3A_248, %add3A_249 : i32
      %dma_start3A_251 = arith.constant 0 : i32
      %dma_start3A_252 = tpu.memref_slice %arg6[%add3A_250, %dma_start3A_251] : memref<512x64xf32, #tpu.memory_space<vmem>> -> memref<1x64xf32, #tpu.memory_space<vmem>>
      %dma_start3A_253 = arith.constant 0 : i32
      %dma_start3A_254 = tpu.memref_slice %arg2[%squeeze3A_246, %dma_start3A_253] : memref<83521x64xf32, #tpu.memory_space<hbm>> -> memref<1x64xf32, #tpu.memory_space<hbm>>
      %dma_start3A_255 = arith.constant 0 : i32
      %dma_start3A_256 = tpu.memref_slice %arg6[%add3A_250, %dma_start3A_255] : memref<512x64xf32, #tpu.memory_space<vmem>> -> memref<1x64xf32, #tpu.memory_space<vmem>>
      %dma_start3A_257 = arith.constant 0 : i32
      %dma_start3A_258 = tpu.memref_slice %arg2[%squeeze3A_246, %dma_start3A_257] : memref<83521x64xf32, #tpu.memory_space<hbm>> -> memref<1x64xf32, #tpu.memory_space<hbm>>
      tpu.enqueue_dma source(%dma_start3A_258 : memref<1x64xf32, #tpu.memory_space<hbm>>) target(%dma_start3A_256 : memref<1x64xf32, #tpu.memory_space<vmem>>) target_semaphore(%arg8 : memref<!tpu.dma_semaphore, #tpu.memory_space<semaphore_mem>>)
      %slice3A_259 = vector.extract_strided_slice %get3A_65 {offsets = [14], sizes = [1], strides = [1]} : vector<16xi32> to vector<1xi32>
      %squeeze3A_260 = vector.extract %slice3A_259[0] : i32 from vector<1xi32>
      %mul3A_261 = arith.constant 16 : i32
      %mul3A_262 = arith.muli %scan3A_61, %mul3A_261 : i32
      %add3A_263 = arith.constant 14 : i32
      %add3A_264 = arith.addi %mul3A_262, %add3A_263 : i32
      %dma_start3A_265 = arith.constant 0 : i32
      %dma_start3A_266 = tpu.memref_slice %arg6[%add3A_264, %dma_start3A_265] : memref<512x64xf32, #tpu.memory_space<vmem>> -> memref<1x64xf32, #tpu.memory_space<vmem>>
      %dma_start3A_267 = arith.constant 0 : i32
      %dma_start3A_268 = tpu.memref_slice %arg2[%squeeze3A_260, %dma_start3A_267] : memref<83521x64xf32, #tpu.memory_space<hbm>> -> memref<1x64xf32, #tpu.memory_space<hbm>>
      %dma_start3A_269 = arith.constant 0 : i32
      %dma_start3A_270 = tpu.memref_slice %arg6[%add3A_264, %dma_start3A_269] : memref<512x64xf32, #tpu.memory_space<vmem>> -> memref<1x64xf32, #tpu.memory_space<vmem>>
      %dma_start3A_271 = arith.constant 0 : i32
      %dma_start3A_272 = tpu.memref_slice %arg2[%squeeze3A_260, %dma_start3A_271] : memref<83521x64xf32, #tpu.memory_space<hbm>> -> memref<1x64xf32, #tpu.memory_space<hbm>>
      tpu.enqueue_dma source(%dma_start3A_272 : memref<1x64xf32, #tpu.memory_space<hbm>>) target(%dma_start3A_270 : memref<1x64xf32, #tpu.memory_space<vmem>>) target_semaphore(%arg8 : memref<!tpu.dma_semaphore, #tpu.memory_space<semaphore_mem>>)
      %slice3A_273 = vector.extract_strided_slice %get3A_65 {offsets = [15], sizes = [1], strides = [1]} : vector<16xi32> to vector<1xi32>
      %squeeze3A_274 = vector.extract %slice3A_273[0] : i32 from vector<1xi32>
      %mul3A_275 = arith.constant 16 : i32
      %mul3A_276 = arith.muli %scan3A_61, %mul3A_275 : i32
      %add3A_277 = arith.constant 15 : i32
      %add3A_278 = arith.addi %mul3A_276, %add3A_277 : i32
      %dma_start3A_279 = arith.constant 0 : i32
      %dma_start3A_280 = tpu.memref_slice %arg6[%add3A_278, %dma_start3A_279] : memref<512x64xf32, #tpu.memory_space<vmem>> -> memref<1x64xf32, #tpu.memory_space<vmem>>
      %dma_start3A_281 = arith.constant 0 : i32
      %dma_start3A_282 = tpu.memref_slice %arg2[%squeeze3A_274, %dma_start3A_281] : memref<83521x64xf32, #tpu.memory_space<hbm>> -> memref<1x64xf32, #tpu.memory_space<hbm>>
      %dma_start3A_283 = arith.constant 0 : i32
      %dma_start3A_284 = tpu.memref_slice %arg6[%add3A_278, %dma_start3A_283] : memref<512x64xf32, #tpu.memory_space<vmem>> -> memref<1x64xf32, #tpu.memory_space<vmem>>
      %dma_start3A_285 = arith.constant 0 : i32
      %dma_start3A_286 = tpu.memref_slice %arg2[%squeeze3A_274, %dma_start3A_285] : memref<83521x64xf32, #tpu.memory_space<hbm>> -> memref<1x64xf32, #tpu.memory_space<hbm>>
      tpu.enqueue_dma source(%dma_start3A_286 : memref<1x64xf32, #tpu.memory_space<hbm>>) target(%dma_start3A_284 : memref<1x64xf32, #tpu.memory_space<vmem>>) target_semaphore(%arg8 : memref<!tpu.dma_semaphore, #tpu.memory_space<semaphore_mem>>)
      %scan3A_287 = arith.constant 0 : i32
      scf.yield %scan3A_287 : i32
    }
    %scan3A_10 = arith.constant 32 : i32
    %dma_wait3A = arith.constant 0 : i32
    %dma_wait3A_11 = arith.constant 0 : i32
    %dma_wait3A_12 = tpu.memref_slice %arg2[%dma_wait3A, %dma_wait3A_11] : memref<83521x64xf32, #tpu.memory_space<hbm>> -> memref<512x64xf32, #tpu.memory_space<hbm>>
    %dma_wait3A_13 = arith.constant 0 : i32
    %dma_wait3A_14 = arith.constant 0 : i32
    %dma_wait3A_15 = tpu.memref_slice %arg2[%dma_wait3A_13, %dma_wait3A_14] : memref<83521x64xf32, #tpu.memory_space<hbm>> -> memref<512x64xf32, #tpu.memory_space<hbm>>
    tpu.wait_dma2 semaphore(%arg8 : memref<!tpu.dma_semaphore, #tpu.memory_space<semaphore_mem>>) src(%dma_wait3A_15 : memref<512x64xf32, #tpu.memory_space<hbm>>) dst(%arg6 : memref<512x64xf32, #tpu.memory_space<vmem>>)
    %scan3A_16 = arith.constant 0 : i32
    %scan3A_17 = arith.constant 0 : i32
    %scan3A_18 = arith.constant 32 : i32
    %scan3A_19 = arith.addi %scan3A_17, %scan3A_18 : i32
    %scan3A_20 = arith.constant 1 : i32
    %scan3A_21 = scf.for %scan3A_61 = %scan3A_17 to %scan3A_19 step %scan3A_20 iter_args(%scan3A_62 = %scan3A_16) -> (i32)  : i32 {
      %jit3A = arith.constant 8 : i32
      %div3A = arith.divsi %scan3A_61, %jit3A : i32
      %sign3A = arith.constant 0 : i32
      %sign3A_63 = arith.cmpi sgt, %scan3A_61, %sign3A : i32
      %sign3A_64 = arith.extui %sign3A_63 : i1 to i32
      %sign3A_65 = arith.constant 0 : i32
      %sign3A_66 = arith.cmpi slt, %scan3A_61, %sign3A_65 : i32
      %sign3A_67 = arith.extui %sign3A_66 : i1 to i32
      %sign3A_68 = arith.subi %sign3A_64, %sign3A_67 : i32
      %sign3A_69 = arith.constant 0 : i32
      %sign3A_70 = arith.cmpi sgt, %jit3A, %sign3A_69 : i32
      %sign3A_71 = arith.extui %sign3A_70 : i1 to i32
      %sign3A_72 = arith.constant 0 : i32
      %sign3A_73 = arith.cmpi slt, %jit3A, %sign3A_72 : i32
      %sign3A_74 = arith.extui %sign3A_73 : i1 to i32
      %sign3A_75 = arith.subi %sign3A_71, %sign3A_74 : i32
      %ne3A = arith.cmpi ne, %sign3A_68, %sign3A_75 : i32
      %rem3A = arith.remsi %scan3A_61, %jit3A : i32
      %ne3A_76 = arith.constant 0 : i32
      %ne3A_77 = arith.cmpi ne, %rem3A, %ne3A_76 : i32
      %and3A = arith.andi %ne3A, %ne3A_77 : i1
      %sub3A = arith.constant 1 : i32
      %sub3A_78 = arith.subi %div3A, %sub3A : i32
      %select_n3A = arith.select %and3A, %sub3A_78, %div3A : i32
      %jit3A_79 = arith.constant 8 : i32
      %eq3A = arith.constant 0 : i32
      %eq3A_80 = arith.cmpi eq, %jit3A_79, %eq3A : i32
      %jit3A_81 = arith.constant 1 : i32
      %select_n3A_82 = arith.select %eq3A_80, %jit3A_81, %jit3A_79 : i32
      %rem3A_83 = arith.remsi %scan3A_61, %select_n3A_82 : i32
      %ne3A_84 = arith.constant 0 : i32
      %ne3A_85 = arith.cmpi ne, %rem3A_83, %ne3A_84 : i32
      %lt3A = arith.constant 0 : i32
      %lt3A_86 = arith.cmpi slt, %rem3A_83, %lt3A : i32
      %lt3A_87 = arith.constant 0 : i32
      %lt3A_88 = arith.cmpi slt, %select_n3A_82, %lt3A_87 : i32
      %ne3A_89 = arith.xori %lt3A_86, %lt3A_88 : i1
      %and3A_90 = arith.andi %ne3A_89, %ne3A_85 : i1
      %add3A_91 = arith.addi %rem3A_83, %select_n3A_82 : i32
      %select_n3A_92 = arith.select %and3A_90, %add3A_91, %rem3A_83 : i32
      %jit3A_93 = arith.constant 2 : i32
      %eq3A_94 = arith.constant 0 : i32
      %eq3A_95 = arith.cmpi eq, %jit3A_93, %eq3A_94 : i32
      %jit3A_96 = arith.constant 1 : i32
      %select_n3A_97 = arith.select %eq3A_95, %jit3A_96, %jit3A_93 : i32
      %rem3A_98 = arith.remsi %scan3A_61, %select_n3A_97 : i32
      %ne3A_99 = arith.constant 0 : i32
      %ne3A_100 = arith.cmpi ne, %rem3A_98, %ne3A_99 : i32
      %lt3A_101 = arith.constant 0 : i32
      %lt3A_102 = arith.cmpi slt, %rem3A_98, %lt3A_101 : i32
      %lt3A_103 = arith.constant 0 : i32
      %lt3A_104 = arith.cmpi slt, %select_n3A_97, %lt3A_103 : i32
      %ne3A_105 = arith.xori %lt3A_102, %lt3A_104 : i1
      %and3A_106 = arith.andi %ne3A_105, %ne3A_100 : i1
      %add3A_107 = arith.addi %rem3A_98, %select_n3A_97 : i32
      %select_n3A_108 = arith.select %and3A_106, %add3A_107, %rem3A_98 : i32
      %ge3A = arith.constant 2 : i32
      %ge3A_109 = arith.cmpi sge, %scan3A_61, %ge3A : i32
      %convert_element_type3A = arith.extui %ge3A_109 : i1 to i32
      %cond3A = arith.constant 0 : i32
      %cond3A_110 = arith.cmpi ne, %convert_element_type3A, %cond3A : i32
      scf.if %cond3A_110 {
        %dma_wait3A_966 = arith.constant 0 : i32
        %dma_wait3A_967 = arith.constant 0 : i32
        %dma_wait3A_968 = arith.constant 0 : i32
        %dma_wait3A_969 = arith.constant 0 : i32
        %dma_wait3A_970 = arith.constant 0 : i32
        %dma_wait3A_971 = tpu.memref_slice %arg7[%dma_wait3A_966, %dma_wait3A_969, %dma_wait3A_970] : memref<2x8x128xf32, #tpu.memory_space<vmem>> -> memref<1x8x128xf32, #tpu.memory_space<vmem>>
        %dma_wait3A_972 = tpu.memref_squeeze %dma_wait3A_971 : memref<1x8x128xf32, #tpu.memory_space<vmem>> -> memref<8x128xf32, #tpu.memory_space<vmem>>
        %dma_wait3A_973 = arith.constant 0 : i32
        %dma_wait3A_974 = arith.constant 0 : i32
        %dma_wait3A_975 = tpu.memref_slice %arg4[%dma_wait3A_967, %dma_wait3A_968, %dma_wait3A_973, %dma_wait3A_974] : memref<8x128x8x128xf32, #tpu.memory_space<hbm>> -> memref<1x1x8x128xf32, #tpu.memory_space<hbm>>
        %dma_wait3A_976 = tpu.memref_squeeze %dma_wait3A_975 : memref<1x1x8x128xf32, #tpu.memory_space<hbm>> -> memref<8x128xf32, #tpu.memory_space<hbm>>
        %dma_wait3A_977 = arith.constant 0 : i32
        %dma_wait3A_978 = arith.constant 0 : i32
        %dma_wait3A_979 = tpu.memref_slice %arg4[%dma_wait3A_967, %dma_wait3A_968, %dma_wait3A_977, %dma_wait3A_978] : memref<8x128x8x128xf32, #tpu.memory_space<hbm>> -> memref<1x1x8x128xf32, #tpu.memory_space<hbm>>
        %dma_wait3A_980 = tpu.memref_squeeze %dma_wait3A_979 : memref<1x1x8x128xf32, #tpu.memory_space<hbm>> -> memref<8x128xf32, #tpu.memory_space<hbm>>
        %dma_wait3A_981 = arith.constant 0 : i32
        %dma_wait3A_982 = arith.constant 0 : i32
        %dma_wait3A_983 = tpu.memref_slice %arg7[%dma_wait3A_966, %dma_wait3A_981, %dma_wait3A_982] : memref<2x8x128xf32, #tpu.memory_space<vmem>> -> memref<1x8x128xf32, #tpu.memory_space<vmem>>
        %dma_wait3A_984 = tpu.memref_squeeze %dma_wait3A_983 : memref<1x8x128xf32, #tpu.memory_space<vmem>> -> memref<8x128xf32, #tpu.memory_space<vmem>>
        tpu.wait_dma2 semaphore(%arg9 : memref<!tpu.dma_semaphore, #tpu.memory_space<semaphore_mem>>) src(%dma_wait3A_984 : memref<8x128xf32, #tpu.memory_space<vmem>>) dst(%dma_wait3A_980 : memref<8x128xf32, #tpu.memory_space<hbm>>)
      } else {
      }
      %mul3A_111 = arith.constant 0 : i32
      %mul3A_112 = vector.broadcast %mul3A_111 : i32 to vector<16xi32>
      %mul3A_113 = arith.muli %iota3A, %mul3A_112 : vector<16xi32>
      %mul3A_114 = arith.constant 8 : i32
      %mul3A_115 = arith.muli %select_n3A_92, %mul3A_114 : i32
      %add3A_116 = arith.constant 0 : i32
      %add3A_117 = arith.addi %mul3A_115, %add3A_116 : i32
      %add3A_118 = vector.broadcast %add3A_117 : i32 to vector<16xi32>
      %add3A_119 = arith.addi %mul3A_113, %add3A_118 : vector<16xi32>
      %mul3A_120 = arith.constant 128 : i32
      %mul3A_121 = arith.muli %select_n3A, %mul3A_120 : i32
      %add3A_122 = arith.constant 0 : i32
      %add3A_123 = arith.addi %mul3A_121, %add3A_122 : i32
      %add3A_124 = vector.broadcast %add3A_123 : i32 to vector<16xi32>
      %add3A_125 = arith.addi %add3A_124, %iota3A : vector<16xi32>
      %gather3A = tpu.vector_load_idx %arg6[%add3A_125, %add3A_119] : memref<512x64xf32, #tpu.memory_space<vmem>>[vector<16xi32>, vector<16xi32>], vector<16xf32>,
      %swap3A = arith.constant 0 : i32
      %swap3A_126 = arith.index_cast %select_n3A_108 : i32 to index
      %swap3A_127 = arith.index_cast %swap3A : i32 to index
      %swap3A_128 = arith.constant 0 : index
      %swap3A_129 = tpu.vector_load %arg7[%swap3A_126, %swap3A_127, %swap3A_128] {strides = array<i32>} : memref<2x8x128xf32, #tpu.memory_space<vmem>>, vector<16xf32>,
      tpu.vector_store %arg7[%swap3A_126, %swap3A_127, %swap3A_128], %gather3A {strides = array<i32>} : memref<2x8x128xf32, #tpu.memory_space<vmem>>, vector<16xf32>,
      %mul3A_130 = arith.constant 128 : i32
      %mul3A_131 = arith.muli %select_n3A, %mul3A_130 : i32
      %add3A_132 = arith.constant 16 : i32
      %add3A_133 = arith.addi %mul3A_131, %add3A_132 : i32
      %add3A_134 = vector.broadcast %add3A_133 : i32 to vector<16xi32>
      %add3A_135 = arith.addi %add3A_134, %iota3A : vector<16xi32>
      %gather3A_136 = tpu.vector_load_idx %arg6[%add3A_135, %add3A_119] : memref<512x64xf32, #tpu.memory_space<vmem>>[vector<16xi32>, vector<16xi32>], vector<16xf32>,
      %swap3A_137 = arith.constant 0 : i32
      %swap3A_138 = arith.index_cast %select_n3A_108 : i32 to index
      %swap3A_139 = arith.index_cast %swap3A_137 : i32 to index
      %swap3A_140 = arith.constant 16 : index
      %swap3A_141 = tpu.vector_load %arg7[%swap3A_138, %swap3A_139, %swap3A_140] {strides = array<i32>} : memref<2x8x128xf32, #tpu.memory_space<vmem>>, vector<16xf32>,
      tpu.vector_store %arg7[%swap3A_138, %swap3A_139, %swap3A_140], %gather3A_136 {strides = array<i32>} : memref<2x8x128xf32, #tpu.memory_space<vmem>>, vector<16xf32>,
      %mul3A_142 = arith.constant 128 : i32
      %mul3A_143 = arith.muli %select_n3A, %mul3A_142 : i32
      %add3A_144 = arith.constant 32 : i32
      %add3A_145 = arith.addi %mul3A_143, %add3A_144 : i32
      %add3A_146 = vector.broadcast %add3A_145 : i32 to vector<16xi32>
      %add3A_147 = arith.addi %add3A_146, %iota3A : vector<16xi32>
      %gather3A_148 = tpu.vector_load_idx %arg6[%add3A_147, %add3A_119] : memref<512x64xf32, #tpu.memory_space<vmem>>[vector<16xi32>, vector<16xi32>], vector<16xf32>,
      %swap3A_149 = arith.constant 0 : i32
      %swap3A_150 = arith.index_cast %select_n3A_108 : i32 to index
      %swap3A_151 = arith.index_cast %swap3A_149 : i32 to index
      %swap3A_152 = arith.constant 32 : index
      %swap3A_153 = tpu.vector_load %arg7[%swap3A_150, %swap3A_151, %swap3A_152] {strides = array<i32>} : memref<2x8x128xf32, #tpu.memory_space<vmem>>, vector<16xf32>,
      tpu.vector_store %arg7[%swap3A_150, %swap3A_151, %swap3A_152], %gather3A_148 {strides = array<i32>} : memref<2x8x128xf32, #tpu.memory_space<vmem>>, vector<16xf32>,
      %mul3A_154 = arith.constant 128 : i32
      %mul3A_155 = arith.muli %select_n3A, %mul3A_154 : i32
      %add3A_156 = arith.constant 48 : i32
      %add3A_157 = arith.addi %mul3A_155, %add3A_156 : i32
      %add3A_158 = vector.broadcast %add3A_157 : i32 to vector<16xi32>
      %add3A_159 = arith.addi %add3A_158, %iota3A : vector<16xi32>
      %gather3A_160 = tpu.vector_load_idx %arg6[%add3A_159, %add3A_119] : memref<512x64xf32, #tpu.memory_space<vmem>>[vector<16xi32>, vector<16xi32>], vector<16xf32>,
      %swap3A_161 = arith.constant 0 : i32
      %swap3A_162 = arith.index_cast %select_n3A_108 : i32 to index
      %swap3A_163 = arith.index_cast %swap3A_161 : i32 to index
      %swap3A_164 = arith.constant 48 : index
      %swap3A_165 = tpu.vector_load %arg7[%swap3A_162, %swap3A_163, %swap3A_164] {strides = array<i32>} : memref<2x8x128xf32, #tpu.memory_space<vmem>>, vector<16xf32>,
      tpu.vector_store %arg7[%swap3A_162, %swap3A_163, %swap3A_164], %gather3A_160 {strides = array<i32>} : memref<2x8x128xf32, #tpu.memory_space<vmem>>, vector<16xf32>,
      %mul3A_166 = arith.constant 128 : i32
      %mul3A_167 = arith.muli %select_n3A, %mul3A_166 : i32
      %add3A_168 = arith.constant 64 : i32
      %add3A_169 = arith.addi %mul3A_167, %add3A_168 : i32
      %add3A_170 = vector.broadcast %add3A_169 : i32 to vector<16xi32>
      %add3A_171 = arith.addi %add3A_170, %iota3A : vector<16xi32>
      %gather3A_172 = tpu.vector_load_idx %arg6[%add3A_171, %add3A_119] : memref<512x64xf32, #tpu.memory_space<vmem>>[vector<16xi32>, vector<16xi32>], vector<16xf32>,
      %swap3A_173 = arith.constant 0 : i32
      %swap3A_174 = arith.index_cast %select_n3A_108 : i32 to index
      %swap3A_175 = arith.index_cast %swap3A_173 : i32 to index
      %swap3A_176 = arith.constant 64 : index
      %swap3A_177 = tpu.vector_load %arg7[%swap3A_174, %swap3A_175, %swap3A_176] {strides = array<i32>} : memref<2x8x128xf32, #tpu.memory_space<vmem>>, vector<16xf32>,
      tpu.vector_store %arg7[%swap3A_174, %swap3A_175, %swap3A_176], %gather3A_172 {strides = array<i32>} : memref<2x8x128xf32, #tpu.memory_space<vmem>>, vector<16xf32>,
      %mul3A_178 = arith.constant 128 : i32
      %mul3A_179 = arith.muli %select_n3A, %mul3A_178 : i32
      %add3A_180 = arith.constant 80 : i32
      %add3A_181 = arith.addi %mul3A_179, %add3A_180 : i32
      %add3A_182 = vector.broadcast %add3A_181 : i32 to vector<16xi32>
      %add3A_183 = arith.addi %add3A_182, %iota3A : vector<16xi32>
      %gather3A_184 = tpu.vector_load_idx %arg6[%add3A_183, %add3A_119] : memref<512x64xf32, #tpu.memory_space<vmem>>[vector<16xi32>, vector<16xi32>], vector<16xf32>,
      %swap3A_185 = arith.constant 0 : i32
      %swap3A_186 = arith.index_cast %select_n3A_108 : i32 to index
      %swap3A_187 = arith.index_cast %swap3A_185 : i32 to index
      %swap3A_188 = arith.constant 80 : index
      %swap3A_189 = tpu.vector_load %arg7[%swap3A_186, %swap3A_187, %swap3A_188] {strides = array<i32>} : memref<2x8x128xf32, #tpu.memory_space<vmem>>, vector<16xf32>,
      tpu.vector_store %arg7[%swap3A_186, %swap3A_187, %swap3A_188], %gather3A_184 {strides = array<i32>} : memref<2x8x128xf32, #tpu.memory_space<vmem>>, vector<16xf32>,
      %mul3A_190 = arith.constant 128 : i32
      %mul3A_191 = arith.muli %select_n3A, %mul3A_190 : i32
      %add3A_192 = arith.constant 96 : i32
      %add3A_193 = arith.addi %mul3A_191, %add3A_192 : i32
      %add3A_194 = vector.broadcast %add3A_193 : i32 to vector<16xi32>
      %add3A_195 = arith.addi %add3A_194, %iota3A : vector<16xi32>
      %gather3A_196 = tpu.vector_load_idx %arg6[%add3A_195, %add3A_119] : memref<512x64xf32, #tpu.memory_space<vmem>>[vector<16xi32>, vector<16xi32>], vector<16xf32>,
      %swap3A_197 = arith.constant 0 : i32
      %swap3A_198 = arith.index_cast %select_n3A_108 : i32 to index
      %swap3A_199 = arith.index_cast %swap3A_197 : i32 to index
      %swap3A_200 = arith.constant 96 : index
      %swap3A_201 = tpu.vector_load %arg7[%swap3A_198, %swap3A_199, %swap3A_200] {strides = array<i32>} : memref<2x8x128xf32, #tpu.memory_space<vmem>>, vector<16xf32>,
      tpu.vector_store %arg7[%swap3A_198, %swap3A_199, %swap3A_200], %gather3A_196 {strides = array<i32>} : memref<2x8x128xf32, #tpu.memory_space<vmem>>, vector<16xf32>,
      %mul3A_202 = arith.constant 128 : i32
      %mul3A_203 = arith.muli %select_n3A, %mul3A_202 : i32
      %add3A_204 = arith.constant 112 : i32
      %add3A_205 = arith.addi %mul3A_203, %add3A_204 : i32
      %add3A_206 = vector.broadcast %add3A_205 : i32 to vector<16xi32>
      %add3A_207 = arith.addi %add3A_206, %iota3A : vector<16xi32>
      %gather3A_208 = tpu.vector_load_idx %arg6[%add3A_207, %add3A_119] : memref<512x64xf32, #tpu.memory_space<vmem>>[vector<16xi32>, vector<16xi32>], vector<16xf32>,
      %swap3A_209 = arith.constant 0 : i32
      %swap3A_210 = arith.index_cast %select_n3A_108 : i32 to index
      %swap3A_211 = arith.index_cast %swap3A_209 : i32 to index
      %swap3A_212 = arith.constant 112 : index
      %swap3A_213 = tpu.vector_load %arg7[%swap3A_210, %swap3A_211, %swap3A_212] {strides = array<i32>} : memref<2x8x128xf32, #tpu.memory_space<vmem>>, vector<16xf32>,
      tpu.vector_store %arg7[%swap3A_210, %swap3A_211, %swap3A_212], %gather3A_208 {strides = array<i32>} : memref<2x8x128xf32, #tpu.memory_space<vmem>>, vector<16xf32>,
      %mul3A_214 = arith.constant 0 : i32
      %mul3A_215 = vector.broadcast %mul3A_214 : i32 to vector<16xi32>
      %mul3A_216 = arith.muli %iota3A, %mul3A_215 : vector<16xi32>
      %mul3A_217 = arith.constant 8 : i32
      %mul3A_218 = arith.muli %select_n3A_92, %mul3A_217 : i32
      %add3A_219 = arith.constant 1 : i32
      %add3A_220 = arith.addi %mul3A_218, %add3A_219 : i32
      %add3A_221 = vector.broadcast %add3A_220 : i32 to vector<16xi32>
      %add3A_222 = arith.addi %mul3A_216, %add3A_221 : vector<16xi32>
      %mul3A_223 = arith.constant 128 : i32
      %mul3A_224 = arith.muli %select_n3A, %mul3A_223 : i32
      %add3A_225 = arith.constant 0 : i32
      %add3A_226 = arith.addi %mul3A_224, %add3A_225 : i32
      %add3A_227 = vector.broadcast %add3A_226 : i32 to vector<16xi32>
      %add3A_228 = arith.addi %add3A_227, %iota3A : vector<16xi32>
      %gather3A_229 = tpu.vector_load_idx %arg6[%add3A_228, %add3A_222] : memref<512x64xf32, #tpu.memory_space<vmem>>[vector<16xi32>, vector<16xi32>], vector<16xf32>,
      %swap3A_230 = arith.constant 1 : i32
      %swap3A_231 = arith.index_cast %select_n3A_108 : i32 to index
      %swap3A_232 = arith.index_cast %swap3A_230 : i32 to index
      %swap3A_233 = arith.constant 0 : index
      %swap3A_234 = tpu.vector_load %arg7[%swap3A_231, %swap3A_232, %swap3A_233] {strides = array<i32>} : memref<2x8x128xf32, #tpu.memory_space<vmem>>, vector<16xf32>,
      tpu.vector_store %arg7[%swap3A_231, %swap3A_232, %swap3A_233], %gather3A_229 {strides = array<i32>} : memref<2x8x128xf32, #tpu.memory_space<vmem>>, vector<16xf32>,
      %mul3A_235 = arith.constant 128 : i32
      %mul3A_236 = arith.muli %select_n3A, %mul3A_235 : i32
      %add3A_237 = arith.constant 16 : i32
      %add3A_238 = arith.addi %mul3A_236, %add3A_237 : i32
      %add3A_239 = vector.broadcast %add3A_238 : i32 to vector<16xi32>
      %add3A_240 = arith.addi %add3A_239, %iota3A : vector<16xi32>
      %gather3A_241 = tpu.vector_load_idx %arg6[%add3A_240, %add3A_222] : memref<512x64xf32, #tpu.memory_space<vmem>>[vector<16xi32>, vector<16xi32>], vector<16xf32>,
      %swap3A_242 = arith.constant 1 : i32
      %swap3A_243 = arith.index_cast %select_n3A_108 : i32 to index
      %swap3A_244 = arith.index_cast %swap3A_242 : i32 to index
      %swap3A_245 = arith.constant 16 : index
      %swap3A_246 = tpu.vector_load %arg7[%swap3A_243, %swap3A_244, %swap3A_245] {strides = array<i32>} : memref<2x8x128xf32, #tpu.memory_space<vmem>>, vector<16xf32>,
      tpu.vector_store %arg7[%swap3A_243, %swap3A_244, %swap3A_245], %gather3A_241 {strides = array<i32>} : memref<2x8x128xf32, #tpu.memory_space<vmem>>, vector<16xf32>,
      %mul3A_247 = arith.constant 128 : i32
      %mul3A_248 = arith.muli %select_n3A, %mul3A_247 : i32
      %add3A_249 = arith.constant 32 : i32
      %add3A_250 = arith.addi %mul3A_248, %add3A_249 : i32
      %add3A_251 = vector.broadcast %add3A_250 : i32 to vector<16xi32>
      %add3A_252 = arith.addi %add3A_251, %iota3A : vector<16xi32>
      %gather3A_253 = tpu.vector_load_idx %arg6[%add3A_252, %add3A_222] : memref<512x64xf32, #tpu.memory_space<vmem>>[vector<16xi32>, vector<16xi32>], vector<16xf32>,
      %swap3A_254 = arith.constant 1 : i32
      %swap3A_255 = arith.index_cast %select_n3A_108 : i32 to index
      %swap3A_256 = arith.index_cast %swap3A_254 : i32 to index
      %swap3A_257 = arith.constant 32 : index
      %swap3A_258 = tpu.vector_load %arg7[%swap3A_255, %swap3A_256, %swap3A_257] {strides = array<i32>} : memref<2x8x128xf32, #tpu.memory_space<vmem>>, vector<16xf32>,
      tpu.vector_store %arg7[%swap3A_255, %swap3A_256, %swap3A_257], %gather3A_253 {strides = array<i32>} : memref<2x8x128xf32, #tpu.memory_space<vmem>>, vector<16xf32>,
      %mul3A_259 = arith.constant 128 : i32
      %mul3A_260 = arith.muli %select_n3A, %mul3A_259 : i32
      %add3A_261 = arith.constant 48 : i32
      %add3A_262 = arith.addi %mul3A_260, %add3A_261 : i32
      %add3A_263 = vector.broadcast %add3A_262 : i32 to vector<16xi32>
      %add3A_264 = arith.addi %add3A_263, %iota3A : vector<16xi32>
      %gather3A_265 = tpu.vector_load_idx %arg6[%add3A_264, %add3A_222] : memref<512x64xf32, #tpu.memory_space<vmem>>[vector<16xi32>, vector<16xi32>], vector<16xf32>,
      %swap3A_266 = arith.constant 1 : i32
      %swap3A_267 = arith.index_cast %select_n3A_108 : i32 to index
      %swap3A_268 = arith.index_cast %swap3A_266 : i32 to index
      %swap3A_269 = arith.constant 48 : index
      %swap3A_270 = tpu.vector_load %arg7[%swap3A_267, %swap3A_268, %swap3A_269] {strides = array<i32>} : memref<2x8x128xf32, #tpu.memory_space<vmem>>, vector<16xf32>,
      tpu.vector_store %arg7[%swap3A_267, %swap3A_268, %swap3A_269], %gather3A_265 {strides = array<i32>} : memref<2x8x128xf32, #tpu.memory_space<vmem>>, vector<16xf32>,
      %mul3A_271 = arith.constant 128 : i32
      %mul3A_272 = arith.muli %select_n3A, %mul3A_271 : i32
      %add3A_273 = arith.constant 64 : i32
      %add3A_274 = arith.addi %mul3A_272, %add3A_273 : i32
      %add3A_275 = vector.broadcast %add3A_274 : i32 to vector<16xi32>
      %add3A_276 = arith.addi %add3A_275, %iota3A : vector<16xi32>
      %gather3A_277 = tpu.vector_load_idx %arg6[%add3A_276, %add3A_222] : memref<512x64xf32, #tpu.memory_space<vmem>>[vector<16xi32>, vector<16xi32>], vector<16xf32>,
      %swap3A_278 = arith.constant 1 : i32
      %swap3A_279 = arith.index_cast %select_n3A_108 : i32 to index
      %swap3A_280 = arith.index_cast %swap3A_278 : i32 to index
      %swap3A_281 = arith.constant 64 : index
      %swap3A_282 = tpu.vector_load %arg7[%swap3A_279, %swap3A_280, %swap3A_281] {strides = array<i32>} : memref<2x8x128xf32, #tpu.memory_space<vmem>>, vector<16xf32>,
      tpu.vector_store %arg7[%swap3A_279, %swap3A_280, %swap3A_281], %gather3A_277 {strides = array<i32>} : memref<2x8x128xf32, #tpu.memory_space<vmem>>, vector<16xf32>,
      %mul3A_283 = arith.constant 128 : i32
      %mul3A_284 = arith.muli %select_n3A, %mul3A_283 : i32
      %add3A_285 = arith.constant 80 : i32
      %add3A_286 = arith.addi %mul3A_284, %add3A_285 : i32
      %add3A_287 = vector.broadcast %add3A_286 : i32 to vector<16xi32>
      %add3A_288 = arith.addi %add3A_287, %iota3A : vector<16xi32>
      %gather3A_289 = tpu.vector_load_idx %arg6[%add3A_288, %add3A_222] : memref<512x64xf32, #tpu.memory_space<vmem>>[vector<16xi32>, vector<16xi32>], vector<16xf32>,
      %swap3A_290 = arith.constant 1 : i32
      %swap3A_291 = arith.index_cast %select_n3A_108 : i32 to index
      %swap3A_292 = arith.index_cast %swap3A_290 : i32 to index
      %swap3A_293 = arith.constant 80 : index
      %swap3A_294 = tpu.vector_load %arg7[%swap3A_291, %swap3A_292, %swap3A_293] {strides = array<i32>} : memref<2x8x128xf32, #tpu.memory_space<vmem>>, vector<16xf32>,
      tpu.vector_store %arg7[%swap3A_291, %swap3A_292, %swap3A_293], %gather3A_289 {strides = array<i32>} : memref<2x8x128xf32, #tpu.memory_space<vmem>>, vector<16xf32>,
      %mul3A_295 = arith.constant 128 : i32
      %mul3A_296 = arith.muli %select_n3A, %mul3A_295 : i32
      %add3A_297 = arith.constant 96 : i32
      %add3A_298 = arith.addi %mul3A_296, %add3A_297 : i32
      %add3A_299 = vector.broadcast %add3A_298 : i32 to vector<16xi32>
      %add3A_300 = arith.addi %add3A_299, %iota3A : vector<16xi32>
      %gather3A_301 = tpu.vector_load_idx %arg6[%add3A_300, %add3A_222] : memref<512x64xf32, #tpu.memory_space<vmem>>[vector<16xi32>, vector<16xi32>], vector<16xf32>,
      %swap3A_302 = arith.constant 1 : i32
      %swap3A_303 = arith.index_cast %select_n3A_108 : i32 to index
      %swap3A_304 = arith.index_cast %swap3A_302 : i32 to index
      %swap3A_305 = arith.constant 96 : index
      %swap3A_306 = tpu.vector_load %arg7[%swap3A_303, %swap3A_304, %swap3A_305] {strides = array<i32>} : memref<2x8x128xf32, #tpu.memory_space<vmem>>, vector<16xf32>,
      tpu.vector_store %arg7[%swap3A_303, %swap3A_304, %swap3A_305], %gather3A_301 {strides = array<i32>} : memref<2x8x128xf32, #tpu.memory_space<vmem>>, vector<16xf32>,
      %mul3A_307 = arith.constant 128 : i32
      %mul3A_308 = arith.muli %select_n3A, %mul3A_307 : i32
      %add3A_309 = arith.constant 112 : i32
      %add3A_310 = arith.addi %mul3A_308, %add3A_309 : i32
      %add3A_311 = vector.broadcast %add3A_310 : i32 to vector<16xi32>
      %add3A_312 = arith.addi %add3A_311, %iota3A : vector<16xi32>
      %gather3A_313 = tpu.vector_load_idx %arg6[%add3A_312, %add3A_222] : memref<512x64xf32, #tpu.memory_space<vmem>>[vector<16xi32>, vector<16xi32>], vector<16xf32>,
      %swap3A_314 = arith.constant 1 : i32
      %swap3A_315 = arith.index_cast %select_n3A_108 : i32 to index
      %swap3A_316 = arith.index_cast %swap3A_314 : i32 to index
      %swap3A_317 = arith.constant 112 : index
      %swap3A_318 = tpu.vector_load %arg7[%swap3A_315, %swap3A_316, %swap3A_317] {strides = array<i32>} : memref<2x8x128xf32, #tpu.memory_space<vmem>>, vector<16xf32>,
      tpu.vector_store %arg7[%swap3A_315, %swap3A_316, %swap3A_317], %gather3A_313 {strides = array<i32>} : memref<2x8x128xf32, #tpu.memory_space<vmem>>, vector<16xf32>,
      %mul3A_319 = arith.constant 0 : i32
      %mul3A_320 = vector.broadcast %mul3A_319 : i32 to vector<16xi32>
      %mul3A_321 = arith.muli %iota3A, %mul3A_320 : vector<16xi32>
      %mul3A_322 = arith.constant 8 : i32
      %mul3A_323 = arith.muli %select_n3A_92, %mul3A_322 : i32
      %add3A_324 = arith.constant 2 : i32
      %add3A_325 = arith.addi %mul3A_323, %add3A_324 : i32
      %add3A_326 = vector.broadcast %add3A_325 : i32 to vector<16xi32>
      %add3A_327 = arith.addi %mul3A_321, %add3A_326 : vector<16xi32>
      %mul3A_328 = arith.constant 128 : i32
      %mul3A_329 = arith.muli %select_n3A, %mul3A_328 : i32
      %add3A_330 = arith.constant 0 : i32
      %add3A_331 = arith.addi %mul3A_329, %add3A_330 : i32
      %add3A_332 = vector.broadcast %add3A_331 : i32 to vector<16xi32>
      %add3A_333 = arith.addi %add3A_332, %iota3A : vector<16xi32>
      %gather3A_334 = tpu.vector_load_idx %arg6[%add3A_333, %add3A_327] : memref<512x64xf32, #tpu.memory_space<vmem>>[vector<16xi32>, vector<16xi32>], vector<16xf32>,
      %swap3A_335 = arith.constant 2 : i32
      %swap3A_336 = arith.index_cast %select_n3A_108 : i32 to index
      %swap3A_337 = arith.index_cast %swap3A_335 : i32 to index
      %swap3A_338 = arith.constant 0 : index
      %swap3A_339 = tpu.vector_load %arg7[%swap3A_336, %swap3A_337, %swap3A_338] {strides = array<i32>} : memref<2x8x128xf32, #tpu.memory_space<vmem>>, vector<16xf32>,
      tpu.vector_store %arg7[%swap3A_336, %swap3A_337, %swap3A_338], %gather3A_334 {strides = array<i32>} : memref<2x8x128xf32, #tpu.memory_space<vmem>>, vector<16xf32>,
      %mul3A_340 = arith.constant 128 : i32
      %mul3A_341 = arith.muli %select_n3A, %mul3A_340 : i32
      %add3A_342 = arith.constant 16 : i32
      %add3A_343 = arith.addi %mul3A_341, %add3A_342 : i32
      %add3A_344 = vector.broadcast %add3A_343 : i32 to vector<16xi32>
      %add3A_345 = arith.addi %add3A_344, %iota3A : vector<16xi32>
      %gather3A_346 = tpu.vector_load_idx %arg6[%add3A_345, %add3A_327] : memref<512x64xf32, #tpu.memory_space<vmem>>[vector<16xi32>, vector<16xi32>], vector<16xf32>,
      %swap3A_347 = arith.constant 2 : i32
      %swap3A_348 = arith.index_cast %select_n3A_108 : i32 to index
      %swap3A_349 = arith.index_cast %swap3A_347 : i32 to index
      %swap3A_350 = arith.constant 16 : index
      %swap3A_351 = tpu.vector_load %arg7[%swap3A_348, %swap3A_349, %swap3A_350] {strides = array<i32>} : memref<2x8x128xf32, #tpu.memory_space<vmem>>, vector<16xf32>,
      tpu.vector_store %arg7[%swap3A_348, %swap3A_349, %swap3A_350], %gather3A_346 {strides = array<i32>} : memref<2x8x128xf32, #tpu.memory_space<vmem>>, vector<16xf32>,
      %mul3A_352 = arith.constant 128 : i32
      %mul3A_353 = arith.muli %select_n3A, %mul3A_352 : i32
      %add3A_354 = arith.constant 32 : i32
      %add3A_355 = arith.addi %mul3A_353, %add3A_354 : i32
      %add3A_356 = vector.broadcast %add3A_355 : i32 to vector<16xi32>
      %add3A_357 = arith.addi %add3A_356, %iota3A : vector<16xi32>
      %gather3A_358 = tpu.vector_load_idx %arg6[%add3A_357, %add3A_327] : memref<512x64xf32, #tpu.memory_space<vmem>>[vector<16xi32>, vector<16xi32>], vector<16xf32>,
      %swap3A_359 = arith.constant 2 : i32
      %swap3A_360 = arith.index_cast %select_n3A_108 : i32 to index
      %swap3A_361 = arith.index_cast %swap3A_359 : i32 to index
      %swap3A_362 = arith.constant 32 : index
      %swap3A_363 = tpu.vector_load %arg7[%swap3A_360, %swap3A_361, %swap3A_362] {strides = array<i32>} : memref<2x8x128xf32, #tpu.memory_space<vmem>>, vector<16xf32>,
      tpu.vector_store %arg7[%swap3A_360, %swap3A_361, %swap3A_362], %gather3A_358 {strides = array<i32>} : memref<2x8x128xf32, #tpu.memory_space<vmem>>, vector<16xf32>,
      %mul3A_364 = arith.constant 128 : i32
      %mul3A_365 = arith.muli %select_n3A, %mul3A_364 : i32
      %add3A_366 = arith.constant 48 : i32
      %add3A_367 = arith.addi %mul3A_365, %add3A_366 : i32
      %add3A_368 = vector.broadcast %add3A_367 : i32 to vector<16xi32>
      %add3A_369 = arith.addi %add3A_368, %iota3A : vector<16xi32>
      %gather3A_370 = tpu.vector_load_idx %arg6[%add3A_369, %add3A_327] : memref<512x64xf32, #tpu.memory_space<vmem>>[vector<16xi32>, vector<16xi32>], vector<16xf32>,
      %swap3A_371 = arith.constant 2 : i32
      %swap3A_372 = arith.index_cast %select_n3A_108 : i32 to index
      %swap3A_373 = arith.index_cast %swap3A_371 : i32 to index
      %swap3A_374 = arith.constant 48 : index
      %swap3A_375 = tpu.vector_load %arg7[%swap3A_372, %swap3A_373, %swap3A_374] {strides = array<i32>} : memref<2x8x128xf32, #tpu.memory_space<vmem>>, vector<16xf32>,
      tpu.vector_store %arg7[%swap3A_372, %swap3A_373, %swap3A_374], %gather3A_370 {strides = array<i32>} : memref<2x8x128xf32, #tpu.memory_space<vmem>>, vector<16xf32>,
      %mul3A_376 = arith.constant 128 : i32
      %mul3A_377 = arith.muli %select_n3A, %mul3A_376 : i32
      %add3A_378 = arith.constant 64 : i32
      %add3A_379 = arith.addi %mul3A_377, %add3A_378 : i32
      %add3A_380 = vector.broadcast %add3A_379 : i32 to vector<16xi32>
      %add3A_381 = arith.addi %add3A_380, %iota3A : vector<16xi32>
      %gather3A_382 = tpu.vector_load_idx %arg6[%add3A_381, %add3A_327] : memref<512x64xf32, #tpu.memory_space<vmem>>[vector<16xi32>, vector<16xi32>], vector<16xf32>,
      %swap3A_383 = arith.constant 2 : i32
      %swap3A_384 = arith.index_cast %select_n3A_108 : i32 to index
      %swap3A_385 = arith.index_cast %swap3A_383 : i32 to index
      %swap3A_386 = arith.constant 64 : index
      %swap3A_387 = tpu.vector_load %arg7[%swap3A_384, %swap3A_385, %swap3A_386] {strides = array<i32>} : memref<2x8x128xf32, #tpu.memory_space<vmem>>, vector<16xf32>,
      tpu.vector_store %arg7[%swap3A_384, %swap3A_385, %swap3A_386], %gather3A_382 {strides = array<i32>} : memref<2x8x128xf32, #tpu.memory_space<vmem>>, vector<16xf32>,
      %mul3A_388 = arith.constant 128 : i32
      %mul3A_389 = arith.muli %select_n3A, %mul3A_388 : i32
      %add3A_390 = arith.constant 80 : i32
      %add3A_391 = arith.addi %mul3A_389, %add3A_390 : i32
      %add3A_392 = vector.broadcast %add3A_391 : i32 to vector<16xi32>
      %add3A_393 = arith.addi %add3A_392, %iota3A : vector<16xi32>
      %gather3A_394 = tpu.vector_load_idx %arg6[%add3A_393, %add3A_327] : memref<512x64xf32, #tpu.memory_space<vmem>>[vector<16xi32>, vector<16xi32>], vector<16xf32>,
      %swap3A_395 = arith.constant 2 : i32
      %swap3A_396 = arith.index_cast %select_n3A_108 : i32 to index
      %swap3A_397 = arith.index_cast %swap3A_395 : i32 to index
      %swap3A_398 = arith.constant 80 : index
      %swap3A_399 = tpu.vector_load %arg7[%swap3A_396, %swap3A_397, %swap3A_398] {strides = array<i32>} : memref<2x8x128xf32, #tpu.memory_space<vmem>>, vector<16xf32>,
      tpu.vector_store %arg7[%swap3A_396, %swap3A_397, %swap3A_398], %gather3A_394 {strides = array<i32>} : memref<2x8x128xf32, #tpu.memory_space<vmem>>, vector<16xf32>,
      %mul3A_400 = arith.constant 128 : i32
      %mul3A_401 = arith.muli %select_n3A, %mul3A_400 : i32
      %add3A_402 = arith.constant 96 : i32
      %add3A_403 = arith.addi %mul3A_401, %add3A_402 : i32
      %add3A_404 = vector.broadcast %add3A_403 : i32 to vector<16xi32>
      %add3A_405 = arith.addi %add3A_404, %iota3A : vector<16xi32>
      %gather3A_406 = tpu.vector_load_idx %arg6[%add3A_405, %add3A_327] : memref<512x64xf32, #tpu.memory_space<vmem>>[vector<16xi32>, vector<16xi32>], vector<16xf32>,
      %swap3A_407 = arith.constant 2 : i32
      %swap3A_408 = arith.index_cast %select_n3A_108 : i32 to index
      %swap3A_409 = arith.index_cast %swap3A_407 : i32 to index
      %swap3A_410 = arith.constant 96 : index
      %swap3A_411 = tpu.vector_load %arg7[%swap3A_408, %swap3A_409, %swap3A_410] {strides = array<i32>} : memref<2x8x128xf32, #tpu.memory_space<vmem>>, vector<16xf32>,
      tpu.vector_store %arg7[%swap3A_408, %swap3A_409, %swap3A_410], %gather3A_406 {strides = array<i32>} : memref<2x8x128xf32, #tpu.memory_space<vmem>>, vector<16xf32>,
      %mul3A_412 = arith.constant 128 : i32
      %mul3A_413 = arith.muli %select_n3A, %mul3A_412 : i32
      %add3A_414 = arith.constant 112 : i32
      %add3A_415 = arith.addi %mul3A_413, %add3A_414 : i32
      %add3A_416 = vector.broadcast %add3A_415 : i32 to vector<16xi32>
      %add3A_417 = arith.addi %add3A_416, %iota3A : vector<16xi32>
      %gather3A_418 = tpu.vector_load_idx %arg6[%add3A_417, %add3A_327] : memref<512x64xf32, #tpu.memory_space<vmem>>[vector<16xi32>, vector<16xi32>], vector<16xf32>,
      %swap3A_419 = arith.constant 2 : i32
      %swap3A_420 = arith.index_cast %select_n3A_108 : i32 to index
      %swap3A_421 = arith.index_cast %swap3A_419 : i32 to index
      %swap3A_422 = arith.constant 112 : index
      %swap3A_423 = tpu.vector_load %arg7[%swap3A_420, %swap3A_421, %swap3A_422] {strides = array<i32>} : memref<2x8x128xf32, #tpu.memory_space<vmem>>, vector<16xf32>,
      tpu.vector_store %arg7[%swap3A_420, %swap3A_421, %swap3A_422], %gather3A_418 {strides = array<i32>} : memref<2x8x128xf32, #tpu.memory_space<vmem>>, vector<16xf32>,
      %mul3A_424 = arith.constant 0 : i32
      %mul3A_425 = vector.broadcast %mul3A_424 : i32 to vector<16xi32>
      %mul3A_426 = arith.muli %iota3A, %mul3A_425 : vector<16xi32>
      %mul3A_427 = arith.constant 8 : i32
      %mul3A_428 = arith.muli %select_n3A_92, %mul3A_427 : i32
      %add3A_429 = arith.constant 3 : i32
      %add3A_430 = arith.addi %mul3A_428, %add3A_429 : i32
      %add3A_431 = vector.broadcast %add3A_430 : i32 to vector<16xi32>
      %add3A_432 = arith.addi %mul3A_426, %add3A_431 : vector<16xi32>
      %mul3A_433 = arith.constant 128 : i32
      %mul3A_434 = arith.muli %select_n3A, %mul3A_433 : i32
      %add3A_435 = arith.constant 0 : i32
      %add3A_436 = arith.addi %mul3A_434, %add3A_435 : i32
      %add3A_437 = vector.broadcast %add3A_436 : i32 to vector<16xi32>
      %add3A_438 = arith.addi %add3A_437, %iota3A : vector<16xi32>
      %gather3A_439 = tpu.vector_load_idx %arg6[%add3A_438, %add3A_432] : memref<512x64xf32, #tpu.memory_space<vmem>>[vector<16xi32>, vector<16xi32>], vector<16xf32>,
      %swap3A_440 = arith.constant 3 : i32
      %swap3A_441 = arith.index_cast %select_n3A_108 : i32 to index
      %swap3A_442 = arith.index_cast %swap3A_440 : i32 to index
      %swap3A_443 = arith.constant 0 : index
      %swap3A_444 = tpu.vector_load %arg7[%swap3A_441, %swap3A_442, %swap3A_443] {strides = array<i32>} : memref<2x8x128xf32, #tpu.memory_space<vmem>>, vector<16xf32>,
      tpu.vector_store %arg7[%swap3A_441, %swap3A_442, %swap3A_443], %gather3A_439 {strides = array<i32>} : memref<2x8x128xf32, #tpu.memory_space<vmem>>, vector<16xf32>,
      %mul3A_445 = arith.constant 128 : i32
      %mul3A_446 = arith.muli %select_n3A, %mul3A_445 : i32
      %add3A_447 = arith.constant 16 : i32
      %add3A_448 = arith.addi %mul3A_446, %add3A_447 : i32
      %add3A_449 = vector.broadcast %add3A_448 : i32 to vector<16xi32>
      %add3A_450 = arith.addi %add3A_449, %iota3A : vector<16xi32>
      %gather3A_451 = tpu.vector_load_idx %arg6[%add3A_450, %add3A_432] : memref<512x64xf32, #tpu.memory_space<vmem>>[vector<16xi32>, vector<16xi32>], vector<16xf32>,
      %swap3A_452 = arith.constant 3 : i32
      %swap3A_453 = arith.index_cast %select_n3A_108 : i32 to index
      %swap3A_454 = arith.index_cast %swap3A_452 : i32 to index
      %swap3A_455 = arith.constant 16 : index
      %swap3A_456 = tpu.vector_load %arg7[%swap3A_453, %swap3A_454, %swap3A_455] {strides = array<i32>} : memref<2x8x128xf32, #tpu.memory_space<vmem>>, vector<16xf32>,
      tpu.vector_store %arg7[%swap3A_453, %swap3A_454, %swap3A_455], %gather3A_451 {strides = array<i32>} : memref<2x8x128xf32, #tpu.memory_space<vmem>>, vector<16xf32>,
      %mul3A_457 = arith.constant 128 : i32
      %mul3A_458 = arith.muli %select_n3A, %mul3A_457 : i32
      %add3A_459 = arith.constant 32 : i32
      %add3A_460 = arith.addi %mul3A_458, %add3A_459 : i32
      %add3A_461 = vector.broadcast %add3A_460 : i32 to vector<16xi32>
      %add3A_462 = arith.addi %add3A_461, %iota3A : vector<16xi32>
      %gather3A_463 = tpu.vector_load_idx %arg6[%add3A_462, %add3A_432] : memref<512x64xf32, #tpu.memory_space<vmem>>[vector<16xi32>, vector<16xi32>], vector<16xf32>,
      %swap3A_464 = arith.constant 3 : i32
      %swap3A_465 = arith.index_cast %select_n3A_108 : i32 to index
      %swap3A_466 = arith.index_cast %swap3A_464 : i32 to index
      %swap3A_467 = arith.constant 32 : index
      %swap3A_468 = tpu.vector_load %arg7[%swap3A_465, %swap3A_466, %swap3A_467] {strides = array<i32>} : memref<2x8x128xf32, #tpu.memory_space<vmem>>, vector<16xf32>,
      tpu.vector_store %arg7[%swap3A_465, %swap3A_466, %swap3A_467], %gather3A_463 {strides = array<i32>} : memref<2x8x128xf32, #tpu.memory_space<vmem>>, vector<16xf32>,
      %mul3A_469 = arith.constant 128 : i32
      %mul3A_470 = arith.muli %select_n3A, %mul3A_469 : i32
      %add3A_471 = arith.constant 48 : i32
      %add3A_472 = arith.addi %mul3A_470, %add3A_471 : i32
      %add3A_473 = vector.broadcast %add3A_472 : i32 to vector<16xi32>
      %add3A_474 = arith.addi %add3A_473, %iota3A : vector<16xi32>
      %gather3A_475 = tpu.vector_load_idx %arg6[%add3A_474, %add3A_432] : memref<512x64xf32, #tpu.memory_space<vmem>>[vector<16xi32>, vector<16xi32>], vector<16xf32>,
      %swap3A_476 = arith.constant 3 : i32
      %swap3A_477 = arith.index_cast %select_n3A_108 : i32 to index
      %swap3A_478 = arith.index_cast %swap3A_476 : i32 to index
      %swap3A_479 = arith.constant 48 : index
      %swap3A_480 = tpu.vector_load %arg7[%swap3A_477, %swap3A_478, %swap3A_479] {strides = array<i32>} : memref<2x8x128xf32, #tpu.memory_space<vmem>>, vector<16xf32>,
      tpu.vector_store %arg7[%swap3A_477, %swap3A_478, %swap3A_479], %gather3A_475 {strides = array<i32>} : memref<2x8x128xf32, #tpu.memory_space<vmem>>, vector<16xf32>,
      %mul3A_481 = arith.constant 128 : i32
      %mul3A_482 = arith.muli %select_n3A, %mul3A_481 : i32
      %add3A_483 = arith.constant 64 : i32
      %add3A_484 = arith.addi %mul3A_482, %add3A_483 : i32
      %add3A_485 = vector.broadcast %add3A_484 : i32 to vector<16xi32>
      %add3A_486 = arith.addi %add3A_485, %iota3A : vector<16xi32>
      %gather3A_487 = tpu.vector_load_idx %arg6[%add3A_486, %add3A_432] : memref<512x64xf32, #tpu.memory_space<vmem>>[vector<16xi32>, vector<16xi32>], vector<16xf32>,
      %swap3A_488 = arith.constant 3 : i32
      %swap3A_489 = arith.index_cast %select_n3A_108 : i32 to index
      %swap3A_490 = arith.index_cast %swap3A_488 : i32 to index
      %swap3A_491 = arith.constant 64 : index
      %swap3A_492 = tpu.vector_load %arg7[%swap3A_489, %swap3A_490, %swap3A_491] {strides = array<i32>} : memref<2x8x128xf32, #tpu.memory_space<vmem>>, vector<16xf32>,
      tpu.vector_store %arg7[%swap3A_489, %swap3A_490, %swap3A_491], %gather3A_487 {strides = array<i32>} : memref<2x8x128xf32, #tpu.memory_space<vmem>>, vector<16xf32>,
      %mul3A_493 = arith.constant 128 : i32
      %mul3A_494 = arith.muli %select_n3A, %mul3A_493 : i32
      %add3A_495 = arith.constant 80 : i32
      %add3A_496 = arith.addi %mul3A_494, %add3A_495 : i32
      %add3A_497 = vector.broadcast %add3A_496 : i32 to vector<16xi32>
      %add3A_498 = arith.addi %add3A_497, %iota3A : vector<16xi32>
      %gather3A_499 = tpu.vector_load_idx %arg6[%add3A_498, %add3A_432] : memref<512x64xf32, #tpu.memory_space<vmem>>[vector<16xi32>, vector<16xi32>], vector<16xf32>,
      %swap3A_500 = arith.constant 3 : i32
      %swap3A_501 = arith.index_cast %select_n3A_108 : i32 to index
      %swap3A_502 = arith.index_cast %swap3A_500 : i32 to index
      %swap3A_503 = arith.constant 80 : index
      %swap3A_504 = tpu.vector_load %arg7[%swap3A_501, %swap3A_502, %swap3A_503] {strides = array<i32>} : memref<2x8x128xf32, #tpu.memory_space<vmem>>, vector<16xf32>,
      tpu.vector_store %arg7[%swap3A_501, %swap3A_502, %swap3A_503], %gather3A_499 {strides = array<i32>} : memref<2x8x128xf32, #tpu.memory_space<vmem>>, vector<16xf32>,
      %mul3A_505 = arith.constant 128 : i32
      %mul3A_506 = arith.muli %select_n3A, %mul3A_505 : i32
      %add3A_507 = arith.constant 96 : i32
      %add3A_508 = arith.addi %mul3A_506, %add3A_507 : i32
      %add3A_509 = vector.broadcast %add3A_508 : i32 to vector<16xi32>
      %add3A_510 = arith.addi %add3A_509, %iota3A : vector<16xi32>
      %gather3A_511 = tpu.vector_load_idx %arg6[%add3A_510, %add3A_432] : memref<512x64xf32, #tpu.memory_space<vmem>>[vector<16xi32>, vector<16xi32>], vector<16xf32>,
      %swap3A_512 = arith.constant 3 : i32
      %swap3A_513 = arith.index_cast %select_n3A_108 : i32 to index
      %swap3A_514 = arith.index_cast %swap3A_512 : i32 to index
      %swap3A_515 = arith.constant 96 : index
      %swap3A_516 = tpu.vector_load %arg7[%swap3A_513, %swap3A_514, %swap3A_515] {strides = array<i32>} : memref<2x8x128xf32, #tpu.memory_space<vmem>>, vector<16xf32>,
      tpu.vector_store %arg7[%swap3A_513, %swap3A_514, %swap3A_515], %gather3A_511 {strides = array<i32>} : memref<2x8x128xf32, #tpu.memory_space<vmem>>, vector<16xf32>,
      %mul3A_517 = arith.constant 128 : i32
      %mul3A_518 = arith.muli %select_n3A, %mul3A_517 : i32
      %add3A_519 = arith.constant 112 : i32
      %add3A_520 = arith.addi %mul3A_518, %add3A_519 : i32
      %add3A_521 = vector.broadcast %add3A_520 : i32 to vector<16xi32>
      %add3A_522 = arith.addi %add3A_521, %iota3A : vector<16xi32>
      %gather3A_523 = tpu.vector_load_idx %arg6[%add3A_522, %add3A_432] : memref<512x64xf32, #tpu.memory_space<vmem>>[vector<16xi32>, vector<16xi32>], vector<16xf32>,
      %swap3A_524 = arith.constant 3 : i32
      %swap3A_525 = arith.index_cast %select_n3A_108 : i32 to index
      %swap3A_526 = arith.index_cast %swap3A_524 : i32 to index
      %swap3A_527 = arith.constant 112 : index
      %swap3A_528 = tpu.vector_load %arg7[%swap3A_525, %swap3A_526, %swap3A_527] {strides = array<i32>} : memref<2x8x128xf32, #tpu.memory_space<vmem>>, vector<16xf32>,
      tpu.vector_store %arg7[%swap3A_525, %swap3A_526, %swap3A_527], %gather3A_523 {strides = array<i32>} : memref<2x8x128xf32, #tpu.memory_space<vmem>>, vector<16xf32>,
      %mul3A_529 = arith.constant 0 : i32
      %mul3A_530 = vector.broadcast %mul3A_529 : i32 to vector<16xi32>
      %mul3A_531 = arith.muli %iota3A, %mul3A_530 : vector<16xi32>
      %mul3A_532 = arith.constant 8 : i32
      %mul3A_533 = arith.muli %select_n3A_92, %mul3A_532 : i32
      %add3A_534 = arith.constant 4 : i32
      %add3A_535 = arith.addi %mul3A_533, %add3A_534 : i32
      %add3A_536 = vector.broadcast %add3A_535 : i32 to vector<16xi32>
      %add3A_537 = arith.addi %mul3A_531, %add3A_536 : vector<16xi32>
      %mul3A_538 = arith.constant 128 : i32
      %mul3A_539 = arith.muli %select_n3A, %mul3A_538 : i32
      %add3A_540 = arith.constant 0 : i32
      %add3A_541 = arith.addi %mul3A_539, %add3A_540 : i32
      %add3A_542 = vector.broadcast %add3A_541 : i32 to vector<16xi32>
      %add3A_543 = arith.addi %add3A_542, %iota3A : vector<16xi32>
      %gather3A_544 = tpu.vector_load_idx %arg6[%add3A_543, %add3A_537] : memref<512x64xf32, #tpu.memory_space<vmem>>[vector<16xi32>, vector<16xi32>], vector<16xf32>,
      %swap3A_545 = arith.constant 4 : i32
      %swap3A_546 = arith.index_cast %select_n3A_108 : i32 to index
      %swap3A_547 = arith.index_cast %swap3A_545 : i32 to index
      %swap3A_548 = arith.constant 0 : index
      %swap3A_549 = tpu.vector_load %arg7[%swap3A_546, %swap3A_547, %swap3A_548] {strides = array<i32>} : memref<2x8x128xf32, #tpu.memory_space<vmem>>, vector<16xf32>,
      tpu.vector_store %arg7[%swap3A_546, %swap3A_547, %swap3A_548], %gather3A_544 {strides = array<i32>} : memref<2x8x128xf32, #tpu.memory_space<vmem>>, vector<16xf32>,
      %mul3A_550 = arith.constant 128 : i32
      %mul3A_551 = arith.muli %select_n3A, %mul3A_550 : i32
      %add3A_552 = arith.constant 16 : i32
      %add3A_553 = arith.addi %mul3A_551, %add3A_552 : i32
      %add3A_554 = vector.broadcast %add3A_553 : i32 to vector<16xi32>
      %add3A_555 = arith.addi %add3A_554, %iota3A : vector<16xi32>
      %gather3A_556 = tpu.vector_load_idx %arg6[%add3A_555, %add3A_537] : memref<512x64xf32, #tpu.memory_space<vmem>>[vector<16xi32>, vector<16xi32>], vector<16xf32>,
      %swap3A_557 = arith.constant 4 : i32
      %swap3A_558 = arith.index_cast %select_n3A_108 : i32 to index
      %swap3A_559 = arith.index_cast %swap3A_557 : i32 to index
      %swap3A_560 = arith.constant 16 : index
      %swap3A_561 = tpu.vector_load %arg7[%swap3A_558, %swap3A_559, %swap3A_560] {strides = array<i32>} : memref<2x8x128xf32, #tpu.memory_space<vmem>>, vector<16xf32>,
      tpu.vector_store %arg7[%swap3A_558, %swap3A_559, %swap3A_560], %gather3A_556 {strides = array<i32>} : memref<2x8x128xf32, #tpu.memory_space<vmem>>, vector<16xf32>,
      %mul3A_562 = arith.constant 128 : i32
      %mul3A_563 = arith.muli %select_n3A, %mul3A_562 : i32
      %add3A_564 = arith.constant 32 : i32
      %add3A_565 = arith.addi %mul3A_563, %add3A_564 : i32
      %add3A_566 = vector.broadcast %add3A_565 : i32 to vector<16xi32>
      %add3A_567 = arith.addi %add3A_566, %iota3A : vector<16xi32>
      %gather3A_568 = tpu.vector_load_idx %arg6[%add3A_567, %add3A_537] : memref<512x64xf32, #tpu.memory_space<vmem>>[vector<16xi32>, vector<16xi32>], vector<16xf32>,
      %swap3A_569 = arith.constant 4 : i32
      %swap3A_570 = arith.index_cast %select_n3A_108 : i32 to index
      %swap3A_571 = arith.index_cast %swap3A_569 : i32 to index
      %swap3A_572 = arith.constant 32 : index
      %swap3A_573 = tpu.vector_load %arg7[%swap3A_570, %swap3A_571, %swap3A_572] {strides = array<i32>} : memref<2x8x128xf32, #tpu.memory_space<vmem>>, vector<16xf32>,
      tpu.vector_store %arg7[%swap3A_570, %swap3A_571, %swap3A_572], %gather3A_568 {strides = array<i32>} : memref<2x8x128xf32, #tpu.memory_space<vmem>>, vector<16xf32>,
      %mul3A_574 = arith.constant 128 : i32
      %mul3A_575 = arith.muli %select_n3A, %mul3A_574 : i32
      %add3A_576 = arith.constant 48 : i32
      %add3A_577 = arith.addi %mul3A_575, %add3A_576 : i32
      %add3A_578 = vector.broadcast %add3A_577 : i32 to vector<16xi32>
      %add3A_579 = arith.addi %add3A_578, %iota3A : vector<16xi32>
      %gather3A_580 = tpu.vector_load_idx %arg6[%add3A_579, %add3A_537] : memref<512x64xf32, #tpu.memory_space<vmem>>[vector<16xi32>, vector<16xi32>], vector<16xf32>,
      %swap3A_581 = arith.constant 4 : i32
      %swap3A_582 = arith.index_cast %select_n3A_108 : i32 to index
      %swap3A_583 = arith.index_cast %swap3A_581 : i32 to index
      %swap3A_584 = arith.constant 48 : index
      %swap3A_585 = tpu.vector_load %arg7[%swap3A_582, %swap3A_583, %swap3A_584] {strides = array<i32>} : memref<2x8x128xf32, #tpu.memory_space<vmem>>, vector<16xf32>,
      tpu.vector_store %arg7[%swap3A_582, %swap3A_583, %swap3A_584], %gather3A_580 {strides = array<i32>} : memref<2x8x128xf32, #tpu.memory_space<vmem>>, vector<16xf32>,
      %mul3A_586 = arith.constant 128 : i32
      %mul3A_587 = arith.muli %select_n3A, %mul3A_586 : i32
      %add3A_588 = arith.constant 64 : i32
      %add3A_589 = arith.addi %mul3A_587, %add3A_588 : i32
      %add3A_590 = vector.broadcast %add3A_589 : i32 to vector<16xi32>
      %add3A_591 = arith.addi %add3A_590, %iota3A : vector<16xi32>
      %gather3A_592 = tpu.vector_load_idx %arg6[%add3A_591, %add3A_537] : memref<512x64xf32, #tpu.memory_space<vmem>>[vector<16xi32>, vector<16xi32>], vector<16xf32>,
      %swap3A_593 = arith.constant 4 : i32
      %swap3A_594 = arith.index_cast %select_n3A_108 : i32 to index
      %swap3A_595 = arith.index_cast %swap3A_593 : i32 to index
      %swap3A_596 = arith.constant 64 : index
      %swap3A_597 = tpu.vector_load %arg7[%swap3A_594, %swap3A_595, %swap3A_596] {strides = array<i32>} : memref<2x8x128xf32, #tpu.memory_space<vmem>>, vector<16xf32>,
      tpu.vector_store %arg7[%swap3A_594, %swap3A_595, %swap3A_596], %gather3A_592 {strides = array<i32>} : memref<2x8x128xf32, #tpu.memory_space<vmem>>, vector<16xf32>,
      %mul3A_598 = arith.constant 128 : i32
      %mul3A_599 = arith.muli %select_n3A, %mul3A_598 : i32
      %add3A_600 = arith.constant 80 : i32
      %add3A_601 = arith.addi %mul3A_599, %add3A_600 : i32
      %add3A_602 = vector.broadcast %add3A_601 : i32 to vector<16xi32>
      %add3A_603 = arith.addi %add3A_602, %iota3A : vector<16xi32>
      %gather3A_604 = tpu.vector_load_idx %arg6[%add3A_603, %add3A_537] : memref<512x64xf32, #tpu.memory_space<vmem>>[vector<16xi32>, vector<16xi32>], vector<16xf32>,
      %swap3A_605 = arith.constant 4 : i32
      %swap3A_606 = arith.index_cast %select_n3A_108 : i32 to index
      %swap3A_607 = arith.index_cast %swap3A_605 : i32 to index
      %swap3A_608 = arith.constant 80 : index
      %swap3A_609 = tpu.vector_load %arg7[%swap3A_606, %swap3A_607, %swap3A_608] {strides = array<i32>} : memref<2x8x128xf32, #tpu.memory_space<vmem>>, vector<16xf32>,
      tpu.vector_store %arg7[%swap3A_606, %swap3A_607, %swap3A_608], %gather3A_604 {strides = array<i32>} : memref<2x8x128xf32, #tpu.memory_space<vmem>>, vector<16xf32>,
      %mul3A_610 = arith.constant 128 : i32
      %mul3A_611 = arith.muli %select_n3A, %mul3A_610 : i32
      %add3A_612 = arith.constant 96 : i32
      %add3A_613 = arith.addi %mul3A_611, %add3A_612 : i32
      %add3A_614 = vector.broadcast %add3A_613 : i32 to vector<16xi32>
      %add3A_615 = arith.addi %add3A_614, %iota3A : vector<16xi32>
      %gather3A_616 = tpu.vector_load_idx %arg6[%add3A_615, %add3A_537] : memref<512x64xf32, #tpu.memory_space<vmem>>[vector<16xi32>, vector<16xi32>], vector<16xf32>,
      %swap3A_617 = arith.constant 4 : i32
      %swap3A_618 = arith.index_cast %select_n3A_108 : i32 to index
      %swap3A_619 = arith.index_cast %swap3A_617 : i32 to index
      %swap3A_620 = arith.constant 96 : index
      %swap3A_621 = tpu.vector_load %arg7[%swap3A_618, %swap3A_619, %swap3A_620] {strides = array<i32>} : memref<2x8x128xf32, #tpu.memory_space<vmem>>, vector<16xf32>,
      tpu.vector_store %arg7[%swap3A_618, %swap3A_619, %swap3A_620], %gather3A_616 {strides = array<i32>} : memref<2x8x128xf32, #tpu.memory_space<vmem>>, vector<16xf32>,
      %mul3A_622 = arith.constant 128 : i32
      %mul3A_623 = arith.muli %select_n3A, %mul3A_622 : i32
      %add3A_624 = arith.constant 112 : i32
      %add3A_625 = arith.addi %mul3A_623, %add3A_624 : i32
      %add3A_626 = vector.broadcast %add3A_625 : i32 to vector<16xi32>
      %add3A_627 = arith.addi %add3A_626, %iota3A : vector<16xi32>
      %gather3A_628 = tpu.vector_load_idx %arg6[%add3A_627, %add3A_537] : memref<512x64xf32, #tpu.memory_space<vmem>>[vector<16xi32>, vector<16xi32>], vector<16xf32>,
      %swap3A_629 = arith.constant 4 : i32
      %swap3A_630 = arith.index_cast %select_n3A_108 : i32 to index
      %swap3A_631 = arith.index_cast %swap3A_629 : i32 to index
      %swap3A_632 = arith.constant 112 : index
      %swap3A_633 = tpu.vector_load %arg7[%swap3A_630, %swap3A_631, %swap3A_632] {strides = array<i32>} : memref<2x8x128xf32, #tpu.memory_space<vmem>>, vector<16xf32>,
      tpu.vector_store %arg7[%swap3A_630, %swap3A_631, %swap3A_632], %gather3A_628 {strides = array<i32>} : memref<2x8x128xf32, #tpu.memory_space<vmem>>, vector<16xf32>,
      %mul3A_634 = arith.constant 0 : i32
      %mul3A_635 = vector.broadcast %mul3A_634 : i32 to vector<16xi32>
      %mul3A_636 = arith.muli %iota3A, %mul3A_635 : vector<16xi32>
      %mul3A_637 = arith.constant 8 : i32
      %mul3A_638 = arith.muli %select_n3A_92, %mul3A_637 : i32
      %add3A_639 = arith.constant 5 : i32
      %add3A_640 = arith.addi %mul3A_638, %add3A_639 : i32
      %add3A_641 = vector.broadcast %add3A_640 : i32 to vector<16xi32>
      %add3A_642 = arith.addi %mul3A_636, %add3A_641 : vector<16xi32>
      %mul3A_643 = arith.constant 128 : i32
      %mul3A_644 = arith.muli %select_n3A, %mul3A_643 : i32
      %add3A_645 = arith.constant 0 : i32
      %add3A_646 = arith.addi %mul3A_644, %add3A_645 : i32
      %add3A_647 = vector.broadcast %add3A_646 : i32 to vector<16xi32>
      %add3A_648 = arith.addi %add3A_647, %iota3A : vector<16xi32>
      %gather3A_649 = tpu.vector_load_idx %arg6[%add3A_648, %add3A_642] : memref<512x64xf32, #tpu.memory_space<vmem>>[vector<16xi32>, vector<16xi32>], vector<16xf32>,
      %swap3A_650 = arith.constant 5 : i32
      %swap3A_651 = arith.index_cast %select_n3A_108 : i32 to index
      %swap3A_652 = arith.index_cast %swap3A_650 : i32 to index
      %swap3A_653 = arith.constant 0 : index
      %swap3A_654 = tpu.vector_load %arg7[%swap3A_651, %swap3A_652, %swap3A_653] {strides = array<i32>} : memref<2x8x128xf32, #tpu.memory_space<vmem>>, vector<16xf32>,
      tpu.vector_store %arg7[%swap3A_651, %swap3A_652, %swap3A_653], %gather3A_649 {strides = array<i32>} : memref<2x8x128xf32, #tpu.memory_space<vmem>>, vector<16xf32>,
      %mul3A_655 = arith.constant 128 : i32
      %mul3A_656 = arith.muli %select_n3A, %mul3A_655 : i32
      %add3A_657 = arith.constant 16 : i32
      %add3A_658 = arith.addi %mul3A_656, %add3A_657 : i32
      %add3A_659 = vector.broadcast %add3A_658 : i32 to vector<16xi32>
      %add3A_660 = arith.addi %add3A_659, %iota3A : vector<16xi32>
      %gather3A_661 = tpu.vector_load_idx %arg6[%add3A_660, %add3A_642] : memref<512x64xf32, #tpu.memory_space<vmem>>[vector<16xi32>, vector<16xi32>], vector<16xf32>,
      %swap3A_662 = arith.constant 5 : i32
      %swap3A_663 = arith.index_cast %select_n3A_108 : i32 to index
      %swap3A_664 = arith.index_cast %swap3A_662 : i32 to index
      %swap3A_665 = arith.constant 16 : index
      %swap3A_666 = tpu.vector_load %arg7[%swap3A_663, %swap3A_664, %swap3A_665] {strides = array<i32>} : memref<2x8x128xf32, #tpu.memory_space<vmem>>, vector<16xf32>,
      tpu.vector_store %arg7[%swap3A_663, %swap3A_664, %swap3A_665], %gather3A_661 {strides = array<i32>} : memref<2x8x128xf32, #tpu.memory_space<vmem>>, vector<16xf32>,
      %mul3A_667 = arith.constant 128 : i32
      %mul3A_668 = arith.muli %select_n3A, %mul3A_667 : i32
      %add3A_669 = arith.constant 32 : i32
      %add3A_670 = arith.addi %mul3A_668, %add3A_669 : i32
      %add3A_671 = vector.broadcast %add3A_670 : i32 to vector<16xi32>
      %add3A_672 = arith.addi %add3A_671, %iota3A : vector<16xi32>
      %gather3A_673 = tpu.vector_load_idx %arg6[%add3A_672, %add3A_642] : memref<512x64xf32, #tpu.memory_space<vmem>>[vector<16xi32>, vector<16xi32>], vector<16xf32>,
      %swap3A_674 = arith.constant 5 : i32
      %swap3A_675 = arith.index_cast %select_n3A_108 : i32 to index
      %swap3A_676 = arith.index_cast %swap3A_674 : i32 to index
      %swap3A_677 = arith.constant 32 : index
      %swap3A_678 = tpu.vector_load %arg7[%swap3A_675, %swap3A_676, %swap3A_677] {strides = array<i32>} : memref<2x8x128xf32, #tpu.memory_space<vmem>>, vector<16xf32>,
      tpu.vector_store %arg7[%swap3A_675, %swap3A_676, %swap3A_677], %gather3A_673 {strides = array<i32>} : memref<2x8x128xf32, #tpu.memory_space<vmem>>, vector<16xf32>,
      %mul3A_679 = arith.constant 128 : i32
      %mul3A_680 = arith.muli %select_n3A, %mul3A_679 : i32
      %add3A_681 = arith.constant 48 : i32
      %add3A_682 = arith.addi %mul3A_680, %add3A_681 : i32
      %add3A_683 = vector.broadcast %add3A_682 : i32 to vector<16xi32>
      %add3A_684 = arith.addi %add3A_683, %iota3A : vector<16xi32>
      %gather3A_685 = tpu.vector_load_idx %arg6[%add3A_684, %add3A_642] : memref<512x64xf32, #tpu.memory_space<vmem>>[vector<16xi32>, vector<16xi32>], vector<16xf32>,
      %swap3A_686 = arith.constant 5 : i32
      %swap3A_687 = arith.index_cast %select_n3A_108 : i32 to index
      %swap3A_688 = arith.index_cast %swap3A_686 : i32 to index
      %swap3A_689 = arith.constant 48 : index
      %swap3A_690 = tpu.vector_load %arg7[%swap3A_687, %swap3A_688, %swap3A_689] {strides = array<i32>} : memref<2x8x128xf32, #tpu.memory_space<vmem>>, vector<16xf32>,
      tpu.vector_store %arg7[%swap3A_687, %swap3A_688, %swap3A_689], %gather3A_685 {strides = array<i32>} : memref<2x8x128xf32, #tpu.memory_space<vmem>>, vector<16xf32>,
      %mul3A_691 = arith.constant 128 : i32
      %mul3A_692 = arith.muli %select_n3A, %mul3A_691 : i32
      %add3A_693 = arith.constant 64 : i32
      %add3A_694 = arith.addi %mul3A_692, %add3A_693 : i32
      %add3A_695 = vector.broadcast %add3A_694 : i32 to vector<16xi32>
      %add3A_696 = arith.addi %add3A_695, %iota3A : vector<16xi32>
      %gather3A_697 = tpu.vector_load_idx %arg6[%add3A_696, %add3A_642] : memref<512x64xf32, #tpu.memory_space<vmem>>[vector<16xi32>, vector<16xi32>], vector<16xf32>,
      %swap3A_698 = arith.constant 5 : i32
      %swap3A_699 = arith.index_cast %select_n3A_108 : i32 to index
      %swap3A_700 = arith.index_cast %swap3A_698 : i32 to index
      %swap3A_701 = arith.constant 64 : index
      %swap3A_702 = tpu.vector_load %arg7[%swap3A_699, %swap3A_700, %swap3A_701] {strides = array<i32>} : memref<2x8x128xf32, #tpu.memory_space<vmem>>, vector<16xf32>,
      tpu.vector_store %arg7[%swap3A_699, %swap3A_700, %swap3A_701], %gather3A_697 {strides = array<i32>} : memref<2x8x128xf32, #tpu.memory_space<vmem>>, vector<16xf32>,
      %mul3A_703 = arith.constant 128 : i32
      %mul3A_704 = arith.muli %select_n3A, %mul3A_703 : i32
      %add3A_705 = arith.constant 80 : i32
      %add3A_706 = arith.addi %mul3A_704, %add3A_705 : i32
      %add3A_707 = vector.broadcast %add3A_706 : i32 to vector<16xi32>
      %add3A_708 = arith.addi %add3A_707, %iota3A : vector<16xi32>
      %gather3A_709 = tpu.vector_load_idx %arg6[%add3A_708, %add3A_642] : memref<512x64xf32, #tpu.memory_space<vmem>>[vector<16xi32>, vector<16xi32>], vector<16xf32>,
      %swap3A_710 = arith.constant 5 : i32
      %swap3A_711 = arith.index_cast %select_n3A_108 : i32 to index
      %swap3A_712 = arith.index_cast %swap3A_710 : i32 to index
      %swap3A_713 = arith.constant 80 : index
      %swap3A_714 = tpu.vector_load %arg7[%swap3A_711, %swap3A_712, %swap3A_713] {strides = array<i32>} : memref<2x8x128xf32, #tpu.memory_space<vmem>>, vector<16xf32>,
      tpu.vector_store %arg7[%swap3A_711, %swap3A_712, %swap3A_713], %gather3A_709 {strides = array<i32>} : memref<2x8x128xf32, #tpu.memory_space<vmem>>, vector<16xf32>,
      %mul3A_715 = arith.constant 128 : i32
      %mul3A_716 = arith.muli %select_n3A, %mul3A_715 : i32
      %add3A_717 = arith.constant 96 : i32
      %add3A_718 = arith.addi %mul3A_716, %add3A_717 : i32
      %add3A_719 = vector.broadcast %add3A_718 : i32 to vector<16xi32>
      %add3A_720 = arith.addi %add3A_719, %iota3A : vector<16xi32>
      %gather3A_721 = tpu.vector_load_idx %arg6[%add3A_720, %add3A_642] : memref<512x64xf32, #tpu.memory_space<vmem>>[vector<16xi32>, vector<16xi32>], vector<16xf32>,
      %swap3A_722 = arith.constant 5 : i32
      %swap3A_723 = arith.index_cast %select_n3A_108 : i32 to index
      %swap3A_724 = arith.index_cast %swap3A_722 : i32 to index
      %swap3A_725 = arith.constant 96 : index
      %swap3A_726 = tpu.vector_load %arg7[%swap3A_723, %swap3A_724, %swap3A_725] {strides = array<i32>} : memref<2x8x128xf32, #tpu.memory_space<vmem>>, vector<16xf32>,
      tpu.vector_store %arg7[%swap3A_723, %swap3A_724, %swap3A_725], %gather3A_721 {strides = array<i32>} : memref<2x8x128xf32, #tpu.memory_space<vmem>>, vector<16xf32>,
      %mul3A_727 = arith.constant 128 : i32
      %mul3A_728 = arith.muli %select_n3A, %mul3A_727 : i32
      %add3A_729 = arith.constant 112 : i32
      %add3A_730 = arith.addi %mul3A_728, %add3A_729 : i32
      %add3A_731 = vector.broadcast %add3A_730 : i32 to vector<16xi32>
      %add3A_732 = arith.addi %add3A_731, %iota3A : vector<16xi32>
      %gather3A_733 = tpu.vector_load_idx %arg6[%add3A_732, %add3A_642] : memref<512x64xf32, #tpu.memory_space<vmem>>[vector<16xi32>, vector<16xi32>], vector<16xf32>,
      %swap3A_734 = arith.constant 5 : i32
      %swap3A_735 = arith.index_cast %select_n3A_108 : i32 to index
      %swap3A_736 = arith.index_cast %swap3A_734 : i32 to index
      %swap3A_737 = arith.constant 112 : index
      %swap3A_738 = tpu.vector_load %arg7[%swap3A_735, %swap3A_736, %swap3A_737] {strides = array<i32>} : memref<2x8x128xf32, #tpu.memory_space<vmem>>, vector<16xf32>,
      tpu.vector_store %arg7[%swap3A_735, %swap3A_736, %swap3A_737], %gather3A_733 {strides = array<i32>} : memref<2x8x128xf32, #tpu.memory_space<vmem>>, vector<16xf32>,
      %mul3A_739 = arith.constant 0 : i32
      %mul3A_740 = vector.broadcast %mul3A_739 : i32 to vector<16xi32>
      %mul3A_741 = arith.muli %iota3A, %mul3A_740 : vector<16xi32>
      %mul3A_742 = arith.constant 8 : i32
      %mul3A_743 = arith.muli %select_n3A_92, %mul3A_742 : i32
      %add3A_744 = arith.constant 6 : i32
      %add3A_745 = arith.addi %mul3A_743, %add3A_744 : i32
      %add3A_746 = vector.broadcast %add3A_745 : i32 to vector<16xi32>
      %add3A_747 = arith.addi %mul3A_741, %add3A_746 : vector<16xi32>
      %mul3A_748 = arith.constant 128 : i32
      %mul3A_749 = arith.muli %select_n3A, %mul3A_748 : i32
      %add3A_750 = arith.constant 0 : i32
      %add3A_751 = arith.addi %mul3A_749, %add3A_750 : i32
      %add3A_752 = vector.broadcast %add3A_751 : i32 to vector<16xi32>
      %add3A_753 = arith.addi %add3A_752, %iota3A : vector<16xi32>
      %gather3A_754 = tpu.vector_load_idx %arg6[%add3A_753, %add3A_747] : memref<512x64xf32, #tpu.memory_space<vmem>>[vector<16xi32>, vector<16xi32>], vector<16xf32>,
      %swap3A_755 = arith.constant 6 : i32
      %swap3A_756 = arith.index_cast %select_n3A_108 : i32 to index
      %swap3A_757 = arith.index_cast %swap3A_755 : i32 to index
      %swap3A_758 = arith.constant 0 : index
      %swap3A_759 = tpu.vector_load %arg7[%swap3A_756, %swap3A_757, %swap3A_758] {strides = array<i32>} : memref<2x8x128xf32, #tpu.memory_space<vmem>>, vector<16xf32>,
      tpu.vector_store %arg7[%swap3A_756, %swap3A_757, %swap3A_758], %gather3A_754 {strides = array<i32>} : memref<2x8x128xf32, #tpu.memory_space<vmem>>, vector<16xf32>,
      %mul3A_760 = arith.constant 128 : i32
      %mul3A_761 = arith.muli %select_n3A, %mul3A_760 : i32
      %add3A_762 = arith.constant 16 : i32
      %add3A_763 = arith.addi %mul3A_761, %add3A_762 : i32
      %add3A_764 = vector.broadcast %add3A_763 : i32 to vector<16xi32>
      %add3A_765 = arith.addi %add3A_764, %iota3A : vector<16xi32>
      %gather3A_766 = tpu.vector_load_idx %arg6[%add3A_765, %add3A_747] : memref<512x64xf32, #tpu.memory_space<vmem>>[vector<16xi32>, vector<16xi32>], vector<16xf32>,
      %swap3A_767 = arith.constant 6 : i32
      %swap3A_768 = arith.index_cast %select_n3A_108 : i32 to index
      %swap3A_769 = arith.index_cast %swap3A_767 : i32 to index
      %swap3A_770 = arith.constant 16 : index
      %swap3A_771 = tpu.vector_load %arg7[%swap3A_768, %swap3A_769, %swap3A_770] {strides = array<i32>} : memref<2x8x128xf32, #tpu.memory_space<vmem>>, vector<16xf32>,
      tpu.vector_store %arg7[%swap3A_768, %swap3A_769, %swap3A_770], %gather3A_766 {strides = array<i32>} : memref<2x8x128xf32, #tpu.memory_space<vmem>>, vector<16xf32>,
      %mul3A_772 = arith.constant 128 : i32
      %mul3A_773 = arith.muli %select_n3A, %mul3A_772 : i32
      %add3A_774 = arith.constant 32 : i32
      %add3A_775 = arith.addi %mul3A_773, %add3A_774 : i32
      %add3A_776 = vector.broadcast %add3A_775 : i32 to vector<16xi32>
      %add3A_777 = arith.addi %add3A_776, %iota3A : vector<16xi32>
      %gather3A_778 = tpu.vector_load_idx %arg6[%add3A_777, %add3A_747] : memref<512x64xf32, #tpu.memory_space<vmem>>[vector<16xi32>, vector<16xi32>], vector<16xf32>,
      %swap3A_779 = arith.constant 6 : i32
      %swap3A_780 = arith.index_cast %select_n3A_108 : i32 to index
      %swap3A_781 = arith.index_cast %swap3A_779 : i32 to index
      %swap3A_782 = arith.constant 32 : index
      %swap3A_783 = tpu.vector_load %arg7[%swap3A_780, %swap3A_781, %swap3A_782] {strides = array<i32>} : memref<2x8x128xf32, #tpu.memory_space<vmem>>, vector<16xf32>,
      tpu.vector_store %arg7[%swap3A_780, %swap3A_781, %swap3A_782], %gather3A_778 {strides = array<i32>} : memref<2x8x128xf32, #tpu.memory_space<vmem>>, vector<16xf32>,
      %mul3A_784 = arith.constant 128 : i32
      %mul3A_785 = arith.muli %select_n3A, %mul3A_784 : i32
      %add3A_786 = arith.constant 48 : i32
      %add3A_787 = arith.addi %mul3A_785, %add3A_786 : i32
      %add3A_788 = vector.broadcast %add3A_787 : i32 to vector<16xi32>
      %add3A_789 = arith.addi %add3A_788, %iota3A : vector<16xi32>
      %gather3A_790 = tpu.vector_load_idx %arg6[%add3A_789, %add3A_747] : memref<512x64xf32, #tpu.memory_space<vmem>>[vector<16xi32>, vector<16xi32>], vector<16xf32>,
      %swap3A_791 = arith.constant 6 : i32
      %swap3A_792 = arith.index_cast %select_n3A_108 : i32 to index
      %swap3A_793 = arith.index_cast %swap3A_791 : i32 to index
      %swap3A_794 = arith.constant 48 : index
      %swap3A_795 = tpu.vector_load %arg7[%swap3A_792, %swap3A_793, %swap3A_794] {strides = array<i32>} : memref<2x8x128xf32, #tpu.memory_space<vmem>>, vector<16xf32>,
      tpu.vector_store %arg7[%swap3A_792, %swap3A_793, %swap3A_794], %gather3A_790 {strides = array<i32>} : memref<2x8x128xf32, #tpu.memory_space<vmem>>, vector<16xf32>,
      %mul3A_796 = arith.constant 128 : i32
      %mul3A_797 = arith.muli %select_n3A, %mul3A_796 : i32
      %add3A_798 = arith.constant 64 : i32
      %add3A_799 = arith.addi %mul3A_797, %add3A_798 : i32
      %add3A_800 = vector.broadcast %add3A_799 : i32 to vector<16xi32>
      %add3A_801 = arith.addi %add3A_800, %iota3A : vector<16xi32>
      %gather3A_802 = tpu.vector_load_idx %arg6[%add3A_801, %add3A_747] : memref<512x64xf32, #tpu.memory_space<vmem>>[vector<16xi32>, vector<16xi32>], vector<16xf32>,
      %swap3A_803 = arith.constant 6 : i32
      %swap3A_804 = arith.index_cast %select_n3A_108 : i32 to index
      %swap3A_805 = arith.index_cast %swap3A_803 : i32 to index
      %swap3A_806 = arith.constant 64 : index
      %swap3A_807 = tpu.vector_load %arg7[%swap3A_804, %swap3A_805, %swap3A_806] {strides = array<i32>} : memref<2x8x128xf32, #tpu.memory_space<vmem>>, vector<16xf32>,
      tpu.vector_store %arg7[%swap3A_804, %swap3A_805, %swap3A_806], %gather3A_802 {strides = array<i32>} : memref<2x8x128xf32, #tpu.memory_space<vmem>>, vector<16xf32>,
      %mul3A_808 = arith.constant 128 : i32
      %mul3A_809 = arith.muli %select_n3A, %mul3A_808 : i32
      %add3A_810 = arith.constant 80 : i32
      %add3A_811 = arith.addi %mul3A_809, %add3A_810 : i32
      %add3A_812 = vector.broadcast %add3A_811 : i32 to vector<16xi32>
      %add3A_813 = arith.addi %add3A_812, %iota3A : vector<16xi32>
      %gather3A_814 = tpu.vector_load_idx %arg6[%add3A_813, %add3A_747] : memref<512x64xf32, #tpu.memory_space<vmem>>[vector<16xi32>, vector<16xi32>], vector<16xf32>,
      %swap3A_815 = arith.constant 6 : i32
      %swap3A_816 = arith.index_cast %select_n3A_108 : i32 to index
      %swap3A_817 = arith.index_cast %swap3A_815 : i32 to index
      %swap3A_818 = arith.constant 80 : index
      %swap3A_819 = tpu.vector_load %arg7[%swap3A_816, %swap3A_817, %swap3A_818] {strides = array<i32>} : memref<2x8x128xf32, #tpu.memory_space<vmem>>, vector<16xf32>,
      tpu.vector_store %arg7[%swap3A_816, %swap3A_817, %swap3A_818], %gather3A_814 {strides = array<i32>} : memref<2x8x128xf32, #tpu.memory_space<vmem>>, vector<16xf32>,
      %mul3A_820 = arith.constant 128 : i32
      %mul3A_821 = arith.muli %select_n3A, %mul3A_820 : i32
      %add3A_822 = arith.constant 96 : i32
      %add3A_823 = arith.addi %mul3A_821, %add3A_822 : i32
      %add3A_824 = vector.broadcast %add3A_823 : i32 to vector<16xi32>
      %add3A_825 = arith.addi %add3A_824, %iota3A : vector<16xi32>
      %gather3A_826 = tpu.vector_load_idx %arg6[%add3A_825, %add3A_747] : memref<512x64xf32, #tpu.memory_space<vmem>>[vector<16xi32>, vector<16xi32>], vector<16xf32>,
      %swap3A_827 = arith.constant 6 : i32
      %swap3A_828 = arith.index_cast %select_n3A_108 : i32 to index
      %swap3A_829 = arith.index_cast %swap3A_827 : i32 to index
      %swap3A_830 = arith.constant 96 : index
      %swap3A_831 = tpu.vector_load %arg7[%swap3A_828, %swap3A_829, %swap3A_830] {strides = array<i32>} : memref<2x8x128xf32, #tpu.memory_space<vmem>>, vector<16xf32>,
      tpu.vector_store %arg7[%swap3A_828, %swap3A_829, %swap3A_830], %gather3A_826 {strides = array<i32>} : memref<2x8x128xf32, #tpu.memory_space<vmem>>, vector<16xf32>,
      %mul3A_832 = arith.constant 128 : i32
      %mul3A_833 = arith.muli %select_n3A, %mul3A_832 : i32
      %add3A_834 = arith.constant 112 : i32
      %add3A_835 = arith.addi %mul3A_833, %add3A_834 : i32
      %add3A_836 = vector.broadcast %add3A_835 : i32 to vector<16xi32>
      %add3A_837 = arith.addi %add3A_836, %iota3A : vector<16xi32>
      %gather3A_838 = tpu.vector_load_idx %arg6[%add3A_837, %add3A_747] : memref<512x64xf32, #tpu.memory_space<vmem>>[vector<16xi32>, vector<16xi32>], vector<16xf32>,
      %swap3A_839 = arith.constant 6 : i32
      %swap3A_840 = arith.index_cast %select_n3A_108 : i32 to index
      %swap3A_841 = arith.index_cast %swap3A_839 : i32 to index
      %swap3A_842 = arith.constant 112 : index
      %swap3A_843 = tpu.vector_load %arg7[%swap3A_840, %swap3A_841, %swap3A_842] {strides = array<i32>} : memref<2x8x128xf32, #tpu.memory_space<vmem>>, vector<16xf32>,
      tpu.vector_store %arg7[%swap3A_840, %swap3A_841, %swap3A_842], %gather3A_838 {strides = array<i32>} : memref<2x8x128xf32, #tpu.memory_space<vmem>>, vector<16xf32>,
      %mul3A_844 = arith.constant 0 : i32
      %mul3A_845 = vector.broadcast %mul3A_844 : i32 to vector<16xi32>
      %mul3A_846 = arith.muli %iota3A, %mul3A_845 : vector<16xi32>
      %mul3A_847 = arith.constant 8 : i32
      %mul3A_848 = arith.muli %select_n3A_92, %mul3A_847 : i32
      %add3A_849 = arith.constant 7 : i32
      %add3A_850 = arith.addi %mul3A_848, %add3A_849 : i32
      %add3A_851 = vector.broadcast %add3A_850 : i32 to vector<16xi32>
      %add3A_852 = arith.addi %mul3A_846, %add3A_851 : vector<16xi32>
      %mul3A_853 = arith.constant 128 : i32
      %mul3A_854 = arith.muli %select_n3A, %mul3A_853 : i32
      %add3A_855 = arith.constant 0 : i32
      %add3A_856 = arith.addi %mul3A_854, %add3A_855 : i32
      %add3A_857 = vector.broadcast %add3A_856 : i32 to vector<16xi32>
      %add3A_858 = arith.addi %add3A_857, %iota3A : vector<16xi32>
      %gather3A_859 = tpu.vector_load_idx %arg6[%add3A_858, %add3A_852] : memref<512x64xf32, #tpu.memory_space<vmem>>[vector<16xi32>, vector<16xi32>], vector<16xf32>,
      %swap3A_860 = arith.constant 7 : i32
      %swap3A_861 = arith.index_cast %select_n3A_108 : i32 to index
      %swap3A_862 = arith.index_cast %swap3A_860 : i32 to index
      %swap3A_863 = arith.constant 0 : index
      %swap3A_864 = tpu.vector_load %arg7[%swap3A_861, %swap3A_862, %swap3A_863] {strides = array<i32>} : memref<2x8x128xf32, #tpu.memory_space<vmem>>, vector<16xf32>,
      tpu.vector_store %arg7[%swap3A_861, %swap3A_862, %swap3A_863], %gather3A_859 {strides = array<i32>} : memref<2x8x128xf32, #tpu.memory_space<vmem>>, vector<16xf32>,
      %mul3A_865 = arith.constant 128 : i32
      %mul3A_866 = arith.muli %select_n3A, %mul3A_865 : i32
      %add3A_867 = arith.constant 16 : i32
      %add3A_868 = arith.addi %mul3A_866, %add3A_867 : i32
      %add3A_869 = vector.broadcast %add3A_868 : i32 to vector<16xi32>
      %add3A_870 = arith.addi %add3A_869, %iota3A : vector<16xi32>
      %gather3A_871 = tpu.vector_load_idx %arg6[%add3A_870, %add3A_852] : memref<512x64xf32, #tpu.memory_space<vmem>>[vector<16xi32>, vector<16xi32>], vector<16xf32>,
      %swap3A_872 = arith.constant 7 : i32
      %swap3A_873 = arith.index_cast %select_n3A_108 : i32 to index
      %swap3A_874 = arith.index_cast %swap3A_872 : i32 to index
      %swap3A_875 = arith.constant 16 : index
      %swap3A_876 = tpu.vector_load %arg7[%swap3A_873, %swap3A_874, %swap3A_875] {strides = array<i32>} : memref<2x8x128xf32, #tpu.memory_space<vmem>>, vector<16xf32>,
      tpu.vector_store %arg7[%swap3A_873, %swap3A_874, %swap3A_875], %gather3A_871 {strides = array<i32>} : memref<2x8x128xf32, #tpu.memory_space<vmem>>, vector<16xf32>,
      %mul3A_877 = arith.constant 128 : i32
      %mul3A_878 = arith.muli %select_n3A, %mul3A_877 : i32
      %add3A_879 = arith.constant 32 : i32
      %add3A_880 = arith.addi %mul3A_878, %add3A_879 : i32
      %add3A_881 = vector.broadcast %add3A_880 : i32 to vector<16xi32>
      %add3A_882 = arith.addi %add3A_881, %iota3A : vector<16xi32>
      %gather3A_883 = tpu.vector_load_idx %arg6[%add3A_882, %add3A_852] : memref<512x64xf32, #tpu.memory_space<vmem>>[vector<16xi32>, vector<16xi32>], vector<16xf32>,
      %swap3A_884 = arith.constant 7 : i32
      %swap3A_885 = arith.index_cast %select_n3A_108 : i32 to index
      %swap3A_886 = arith.index_cast %swap3A_884 : i32 to index
      %swap3A_887 = arith.constant 32 : index
      %swap3A_888 = tpu.vector_load %arg7[%swap3A_885, %swap3A_886, %swap3A_887] {strides = array<i32>} : memref<2x8x128xf32, #tpu.memory_space<vmem>>, vector<16xf32>,
      tpu.vector_store %arg7[%swap3A_885, %swap3A_886, %swap3A_887], %gather3A_883 {strides = array<i32>} : memref<2x8x128xf32, #tpu.memory_space<vmem>>, vector<16xf32>,
      %mul3A_889 = arith.constant 128 : i32
      %mul3A_890 = arith.muli %select_n3A, %mul3A_889 : i32
      %add3A_891 = arith.constant 48 : i32
      %add3A_892 = arith.addi %mul3A_890, %add3A_891 : i32
      %add3A_893 = vector.broadcast %add3A_892 : i32 to vector<16xi32>
      %add3A_894 = arith.addi %add3A_893, %iota3A : vector<16xi32>
      %gather3A_895 = tpu.vector_load_idx %arg6[%add3A_894, %add3A_852] : memref<512x64xf32, #tpu.memory_space<vmem>>[vector<16xi32>, vector<16xi32>], vector<16xf32>,
      %swap3A_896 = arith.constant 7 : i32
      %swap3A_897 = arith.index_cast %select_n3A_108 : i32 to index
      %swap3A_898 = arith.index_cast %swap3A_896 : i32 to index
      %swap3A_899 = arith.constant 48 : index
      %swap3A_900 = tpu.vector_load %arg7[%swap3A_897, %swap3A_898, %swap3A_899] {strides = array<i32>} : memref<2x8x128xf32, #tpu.memory_space<vmem>>, vector<16xf32>,
      tpu.vector_store %arg7[%swap3A_897, %swap3A_898, %swap3A_899], %gather3A_895 {strides = array<i32>} : memref<2x8x128xf32, #tpu.memory_space<vmem>>, vector<16xf32>,
      %mul3A_901 = arith.constant 128 : i32
      %mul3A_902 = arith.muli %select_n3A, %mul3A_901 : i32
      %add3A_903 = arith.constant 64 : i32
      %add3A_904 = arith.addi %mul3A_902, %add3A_903 : i32
      %add3A_905 = vector.broadcast %add3A_904 : i32 to vector<16xi32>
      %add3A_906 = arith.addi %add3A_905, %iota3A : vector<16xi32>
      %gather3A_907 = tpu.vector_load_idx %arg6[%add3A_906, %add3A_852] : memref<512x64xf32, #tpu.memory_space<vmem>>[vector<16xi32>, vector<16xi32>], vector<16xf32>,
      %swap3A_908 = arith.constant 7 : i32
      %swap3A_909 = arith.index_cast %select_n3A_108 : i32 to index
      %swap3A_910 = arith.index_cast %swap3A_908 : i32 to index
      %swap3A_911 = arith.constant 64 : index
      %swap3A_912 = tpu.vector_load %arg7[%swap3A_909, %swap3A_910, %swap3A_911] {strides = array<i32>} : memref<2x8x128xf32, #tpu.memory_space<vmem>>, vector<16xf32>,
      tpu.vector_store %arg7[%swap3A_909, %swap3A_910, %swap3A_911], %gather3A_907 {strides = array<i32>} : memref<2x8x128xf32, #tpu.memory_space<vmem>>, vector<16xf32>,
      %mul3A_913 = arith.constant 128 : i32
      %mul3A_914 = arith.muli %select_n3A, %mul3A_913 : i32
      %add3A_915 = arith.constant 80 : i32
      %add3A_916 = arith.addi %mul3A_914, %add3A_915 : i32
      %add3A_917 = vector.broadcast %add3A_916 : i32 to vector<16xi32>
      %add3A_918 = arith.addi %add3A_917, %iota3A : vector<16xi32>
      %gather3A_919 = tpu.vector_load_idx %arg6[%add3A_918, %add3A_852] : memref<512x64xf32, #tpu.memory_space<vmem>>[vector<16xi32>, vector<16xi32>], vector<16xf32>,
      %swap3A_920 = arith.constant 7 : i32
      %swap3A_921 = arith.index_cast %select_n3A_108 : i32 to index
      %swap3A_922 = arith.index_cast %swap3A_920 : i32 to index
      %swap3A_923 = arith.constant 80 : index
      %swap3A_924 = tpu.vector_load %arg7[%swap3A_921, %swap3A_922, %swap3A_923] {strides = array<i32>} : memref<2x8x128xf32, #tpu.memory_space<vmem>>, vector<16xf32>,
      tpu.vector_store %arg7[%swap3A_921, %swap3A_922, %swap3A_923], %gather3A_919 {strides = array<i32>} : memref<2x8x128xf32, #tpu.memory_space<vmem>>, vector<16xf32>,
      %mul3A_925 = arith.constant 128 : i32
      %mul3A_926 = arith.muli %select_n3A, %mul3A_925 : i32
      %add3A_927 = arith.constant 96 : i32
      %add3A_928 = arith.addi %mul3A_926, %add3A_927 : i32
      %add3A_929 = vector.broadcast %add3A_928 : i32 to vector<16xi32>
      %add3A_930 = arith.addi %add3A_929, %iota3A : vector<16xi32>
      %gather3A_931 = tpu.vector_load_idx %arg6[%add3A_930, %add3A_852] : memref<512x64xf32, #tpu.memory_space<vmem>>[vector<16xi32>, vector<16xi32>], vector<16xf32>,
      %swap3A_932 = arith.constant 7 : i32
      %swap3A_933 = arith.index_cast %select_n3A_108 : i32 to index
      %swap3A_934 = arith.index_cast %swap3A_932 : i32 to index
      %swap3A_935 = arith.constant 96 : index
      %swap3A_936 = tpu.vector_load %arg7[%swap3A_933, %swap3A_934, %swap3A_935] {strides = array<i32>} : memref<2x8x128xf32, #tpu.memory_space<vmem>>, vector<16xf32>,
      tpu.vector_store %arg7[%swap3A_933, %swap3A_934, %swap3A_935], %gather3A_931 {strides = array<i32>} : memref<2x8x128xf32, #tpu.memory_space<vmem>>, vector<16xf32>,
      %mul3A_937 = arith.constant 128 : i32
      %mul3A_938 = arith.muli %select_n3A, %mul3A_937 : i32
      %add3A_939 = arith.constant 112 : i32
      %add3A_940 = arith.addi %mul3A_938, %add3A_939 : i32
      %add3A_941 = vector.broadcast %add3A_940 : i32 to vector<16xi32>
      %add3A_942 = arith.addi %add3A_941, %iota3A : vector<16xi32>
      %gather3A_943 = tpu.vector_load_idx %arg6[%add3A_942, %add3A_852] : memref<512x64xf32, #tpu.memory_space<vmem>>[vector<16xi32>, vector<16xi32>], vector<16xf32>,
      %swap3A_944 = arith.constant 7 : i32
      %swap3A_945 = arith.index_cast %select_n3A_108 : i32 to index
      %swap3A_946 = arith.index_cast %swap3A_944 : i32 to index
      %swap3A_947 = arith.constant 112 : index
      %swap3A_948 = tpu.vector_load %arg7[%swap3A_945, %swap3A_946, %swap3A_947] {strides = array<i32>} : memref<2x8x128xf32, #tpu.memory_space<vmem>>, vector<16xf32>,
      tpu.vector_store %arg7[%swap3A_945, %swap3A_946, %swap3A_947], %gather3A_943 {strides = array<i32>} : memref<2x8x128xf32, #tpu.memory_space<vmem>>, vector<16xf32>,
      %add3A_949 = arith.addi %mul3A_4, %select_n3A : i32
      %dma_start3A = arith.constant 0 : i32
      %dma_start3A_950 = arith.constant 0 : i32
      %dma_start3A_951 = tpu.memref_slice %arg7[%select_n3A_108, %dma_start3A, %dma_start3A_950] : memref<2x8x128xf32, #tpu.memory_space<vmem>> -> memref<1x8x128xf32, #tpu.memory_space<vmem>>
      %dma_start3A_952 = tpu.memref_squeeze %dma_start3A_951 : memref<1x8x128xf32, #tpu.memory_space<vmem>> -> memref<8x128xf32, #tpu.memory_space<vmem>>
      %dma_start3A_953 = arith.constant 0 : i32
      %dma_start3A_954 = arith.constant 0 : i32
      %dma_start3A_955 = tpu.memref_slice %arg4[%select_n3A_92, %add3A_949, %dma_start3A_953, %dma_start3A_954] : memref<8x128x8x128xf32, #tpu.memory_space<hbm>> -> memref<1x1x8x128xf32, #tpu.memory_space<hbm>>
      %dma_start3A_956 = tpu.memref_squeeze %dma_start3A_955 : memref<1x1x8x128xf32, #tpu.memory_space<hbm>> -> memref<8x128xf32, #tpu.memory_space<hbm>>
      %dma_start3A_957 = arith.constant 0 : i32
      %dma_start3A_958 = arith.constant 0 : i32
      %dma_start3A_959 = tpu.memref_slice %arg4[%select_n3A_92, %add3A_949, %dma_start3A_957, %dma_start3A_958] : memref<8x128x8x128xf32, #tpu.memory_space<hbm>> -> memref<1x1x8x128xf32, #tpu.memory_space<hbm>>
      %dma_start3A_960 = tpu.memref_squeeze %dma_start3A_959 : memref<1x1x8x128xf32, #tpu.memory_space<hbm>> -> memref<8x128xf32, #tpu.memory_space<hbm>>
      %dma_start3A_961 = arith.constant 0 : i32
      %dma_start3A_962 = arith.constant 0 : i32
      %dma_start3A_963 = tpu.memref_slice %arg7[%select_n3A_108, %dma_start3A_961, %dma_start3A_962] : memref<2x8x128xf32, #tpu.memory_space<vmem>> -> memref<1x8x128xf32, #tpu.memory_space<vmem>>
      %dma_start3A_964 = tpu.memref_squeeze %dma_start3A_963 : memref<1x8x128xf32, #tpu.memory_space<vmem>> -> memref<8x128xf32, #tpu.memory_space<vmem>>
      tpu.enqueue_dma source(%dma_start3A_964 : memref<8x128xf32, #tpu.memory_space<vmem>>) target(%dma_start3A_960 : memref<8x128xf32, #tpu.memory_space<hbm>>) target_semaphore(%arg9 : memref<!tpu.dma_semaphore, #tpu.memory_space<semaphore_mem>>)
      %scan3A_965 = arith.constant 0 : i32
      scf.yield %scan3A_965 : i32
    }
    %scan3A_22 = arith.constant 32 : i32
    %dma_wait3A_23 = arith.constant 0 : i32
    %dma_wait3A_24 = arith.constant 0 : i32
    %dma_wait3A_25 = arith.constant 0 : i32
    %dma_wait3A_26 = arith.constant 0 : i32
    %dma_wait3A_27 = arith.constant 0 : i32
    %dma_wait3A_28 = tpu.memref_slice %arg7[%dma_wait3A_23, %dma_wait3A_26, %dma_wait3A_27] : memref<2x8x128xf32, #tpu.memory_space<vmem>> -> memref<1x8x128xf32, #tpu.memory_space<vmem>>
    %dma_wait3A_29 = tpu.memref_squeeze %dma_wait3A_28 : memref<1x8x128xf32, #tpu.memory_space<vmem>> -> memref<8x128xf32, #tpu.memory_space<vmem>>
    %dma_wait3A_30 = arith.constant 0 : i32
    %dma_wait3A_31 = arith.constant 0 : i32
    %dma_wait3A_32 = tpu.memref_slice %arg4[%dma_wait3A_24, %dma_wait3A_25, %dma_wait3A_30, %dma_wait3A_31] : memref<8x128x8x128xf32, #tpu.memory_space<hbm>> -> memref<1x1x8x128xf32, #tpu.memory_space<hbm>>
    %dma_wait3A_33 = tpu.memref_squeeze %dma_wait3A_32 : memref<1x1x8x128xf32, #tpu.memory_space<hbm>> -> memref<8x128xf32, #tpu.memory_space<hbm>>
    %dma_wait3A_34 = arith.constant 0 : i32
    %dma_wait3A_35 = arith.constant 0 : i32
    %dma_wait3A_36 = tpu.memref_slice %arg4[%dma_wait3A_24, %dma_wait3A_25, %dma_wait3A_34, %dma_wait3A_35] : memref<8x128x8x128xf32, #tpu.memory_space<hbm>> -> memref<1x1x8x128xf32, #tpu.memory_space<hbm>>
    %dma_wait3A_37 = tpu.memref_squeeze %dma_wait3A_36 : memref<1x1x8x128xf32, #tpu.memory_space<hbm>> -> memref<8x128xf32, #tpu.memory_space<hbm>>
    %dma_wait3A_38 = arith.constant 0 : i32
    %dma_wait3A_39 = arith.constant 0 : i32
    %dma_wait3A_40 = tpu.memref_slice %arg7[%dma_wait3A_23, %dma_wait3A_38, %dma_wait3A_39] : memref<2x8x128xf32, #tpu.memory_space<vmem>> -> memref<1x8x128xf32, #tpu.memory_space<vmem>>
    %dma_wait3A_41 = tpu.memref_squeeze %dma_wait3A_40 : memref<1x8x128xf32, #tpu.memory_space<vmem>> -> memref<8x128xf32, #tpu.memory_space<vmem>>
    tpu.wait_dma2 semaphore(%arg9 : memref<!tpu.dma_semaphore, #tpu.memory_space<semaphore_mem>>) src(%dma_wait3A_41 : memref<8x128xf32, #tpu.memory_space<vmem>>) dst(%dma_wait3A_37 : memref<8x128xf32, #tpu.memory_space<hbm>>)
    %dma_wait3A_42 = arith.constant 0 : i32
    %dma_wait3A_43 = arith.constant 0 : i32
    %dma_wait3A_44 = arith.constant 0 : i32
    %dma_wait3A_45 = arith.constant 0 : i32
    %dma_wait3A_46 = arith.constant 0 : i32
    %dma_wait3A_47 = tpu.memref_slice %arg7[%dma_wait3A_42, %dma_wait3A_45, %dma_wait3A_46] : memref<2x8x128xf32, #tpu.memory_space<vmem>> -> memref<1x8x128xf32, #tpu.memory_space<vmem>>
    %dma_wait3A_48 = tpu.memref_squeeze %dma_wait3A_47 : memref<1x8x128xf32, #tpu.memory_space<vmem>> -> memref<8x128xf32, #tpu.memory_space<vmem>>
    %dma_wait3A_49 = arith.constant 0 : i32
    %dma_wait3A_50 = arith.constant 0 : i32
    %dma_wait3A_51 = tpu.memref_slice %arg4[%dma_wait3A_43, %dma_wait3A_44, %dma_wait3A_49, %dma_wait3A_50] : memref<8x128x8x128xf32, #tpu.memory_space<hbm>> -> memref<1x1x8x128xf32, #tpu.memory_space<hbm>>
    %dma_wait3A_52 = tpu.memref_squeeze %dma_wait3A_51 : memref<1x1x8x128xf32, #tpu.memory_space<hbm>> -> memref<8x128xf32, #tpu.memory_space<hbm>>
    %dma_wait3A_53 = arith.constant 0 : i32
    %dma_wait3A_54 = arith.constant 0 : i32
    %dma_wait3A_55 = tpu.memref_slice %arg4[%dma_wait3A_43, %dma_wait3A_44, %dma_wait3A_53, %dma_wait3A_54] : memref<8x128x8x128xf32, #tpu.memory_space<hbm>> -> memref<1x1x8x128xf32, #tpu.memory_space<hbm>>
    %dma_wait3A_56 = tpu.memref_squeeze %dma_wait3A_55 : memref<1x1x8x128xf32, #tpu.memory_space<hbm>> -> memref<8x128xf32, #tpu.memory_space<hbm>>
    %dma_wait3A_57 = arith.constant 0 : i32
    %dma_wait3A_58 = arith.constant 0 : i32
    %dma_wait3A_59 = tpu.memref_slice %arg7[%dma_wait3A_42, %dma_wait3A_57, %dma_wait3A_58] : memref<2x8x128xf32, #tpu.memory_space<vmem>> -> memref<1x8x128xf32, #tpu.memory_space<vmem>>
    %dma_wait3A_60 = tpu.memref_squeeze %dma_wait3A_59 : memref<1x8x128xf32, #tpu.memory_space<vmem>> -> memref<8x128xf32, #tpu.memory_space<vmem>>
    tpu.wait_dma2 semaphore(%arg9 : memref<!tpu.dma_semaphore, #tpu.memory_space<semaphore_mem>>) src(%dma_wait3A_60 : memref<8x128xf32, #tpu.memory_space<vmem>>) dst(%dma_wait3A_56 : memref<8x128xf32, #tpu.memory_space<hbm>>)
    return
  }
}

</mosaic_0001>

<sc_bundles>
// kernel: kernel.3.cloned.1.call-start
scs
__scs_entry_jumppad:
0x0: {  	(pc) =	sbr.rel $0x88, $3  }
0x1: {  	(tag) =	ssettag $0x0;
	lr =	simm.s32 $0x1  }
0x2: {  	[smem:$0x3F9F] =	sst lr;
	_ =	strace $0xD0000000  }
0x3: {  	_ = 	snop  }
0x4: {  	_ = 	snop  }
0x5: {  	_ = 	snop  }
0x6: {  	_ = 	snop  }
0x7: {  	_ = 	snop  }
__scs_overlays_trampoline_lowered:
0x8: {  	[smem:$0x3FAE] =	sst s0  }
0x9: {  	[smem:$0x3FAF] =	sst s1  }
0xa: {  	[smem:$0x3FB0] =	sst s2  }
0xb: {  	[smem:$0x3FB1] =	sst s3  }
0xc: {  	[smem:$0x3FB2] =	sst s4  }
0xd: {  	[smem:$0x3FB3] =	sst s5  }
0xe: {  	[smem:$0x3FB4] =	sst s6  }
0xf: {  	[smem:$0x3FB5] =	sst s7  }
0x10: {  	[smem:$0x3FB6] =	sst s8  }
0x11: {  	[smem:$0x3FB7] =	sst s9;
	s0 =	simm.s32 @!p0 $0x0  }
0x12: {  	s1 =	sld [smem:$0x3F9D];
	s0 =	simm.s32 @p0 $0x1  }
0x13: {  	[smem:$0x3FB8] =	sst s0;
	s0 =	simm.s32 @!p1 $0x0  }
0x14: {  	s2 =	sld [smem:$0x3F9C];
	s0 =	simm.s32 @p1 $0x1  }
0x15: {  	[smem:$0x3FB9] =	sst s0;
	s0 =	simm.s32 @!p2 $0x0  }
0x16: {  	s3 =	sld [smem:$0x3FDB];
	s0 =	simm.s32 @p2 $0x1  }
0x17: {  	s4 =	simm.s32 $0x1BF5;
	[smem:$0x3FBB] =	sst s0  }
0x18: {  	s0 =	sld [smem:$0x3F9E];
	_ =	swait.ge [sflag:s4], $0x0  }
0x19: {  	s7 =	sld [smem:$0x3F9F]  }
0x1a: {  	s8 =	sadd.s32 $0xFFFFE003, lr  }
0x1b: {  	s9 =	sadd.s32 $0xFFFFFEF7, lr;
	s5 =	simm.s32 $0xFFFFFFFF;
	p2 =	slt.u32 s8, $0xFFFFF086  }
0x1c: {  	p1 =	slt.u32 s9, $0xF7A;
	s5 =	simm.s32 @!p2 $0x0  }
0x1d: {  	s5 =	simm.s32 @p1 $0x1;
	p0 =	seq.s32 s7, s2  }
0x1e: {  	s7 =	smul.u32 @!p0 $0xF7A, s2;
	p2 =	seq.s32 @!p0 s5, $0x0  }
0x1f: {  	s9 =	smul.u32 $0xF7A, s1;
	s8 =	simm.s32 @!p0 $0x1BF5;
	p2 =	por !p2, p0  }
0x20: {  	[sflag:s8] =	ssyncset.s32 @!p0 $0xFFFFF086;
	s6 =	sadd.s32 @!p0 s3, s7;
	s7 =	simm.s32 @!p0 $0x108  }
0x21: {  	s3 =	sadd.s32 s3, s9;
	s6 =	sadd.s32 @!p0 $0x88, s6;
	s7 =	simm.s32 @p2 $0x1082  }
0x22: {  	[simem:s7], [sflag:s8] =	dma.local @!p0 [hbm:s6], $0xF7A  }
0x23: {  	s9 =	sor.u32 $0xD0000000, s2;
	s6 =	simm.s32 $0x108;
	_ =	swait.ge @!p0 [sflag:s8], $0x0  }
0x24: {  	s3 =	sadd.s32 $0x88, s3;
	s6 =	simm.s32 @!p1 $0x1082;
	[sflag:s4] =	ssyncset.s32 $0xFFFFF086  }
0x25: {  	[simem:s6], [sflag:s4] =	dma.local [hbm:s3], $0xF7A  }
0x26: {  	[smem:$0x3F9F] =	sst s1;
	(tag) =	ssettag s2;
	_ =	strace s9  }
0x27: {  	s1 =	sld [smem:$0x3FAF]  }
0x28: {  	s2 =	sld [smem:$0x3FB0]  }
0x29: {  	s4 =	sld [smem:$0x3FB2]  }
0x2a: {  	p0 =	seq.s32 s5, $0x0;
	s5 =	sld [smem:$0x3FB3]  }
0x2b: {  	s6 =	sld [smem:$0x3FB4]  }
0x2c: {  	s7 =	sld [smem:$0x3FB5]  }
0x2d: {  	s3 =	simm.s32 $0x108;
	s8 =	sld [smem:$0x3FB6]  }
0x2e: {  	s3 =	simm.s32 @!p0 $0x1082;
	s9 =	sld [smem:$0x3FB7]  }
0x2f: {  	lr =	sadd.s32 s0, s3;
	s0 =	sld [smem:$0x3FAE]  }
0x30: {  	s3 =	sld [smem:$0x3FB1]  }
0x31: {  	[smem:$0x3FBA] =	sst s10  }
0x32: {  	s10 =	sld [smem:$0x3FB8];
	_ =	sdelay $0x3  }
0x33: {  	p0 =	seq.s32 s10, $0x1;
	s10 =	sld [smem:$0x3FBA];
	_ =	sdelay $0x3  }
0x34: {  	[smem:$0x3FBA] =	sst s10  }
0x35: {  	s10 =	sld [smem:$0x3FB9];
	_ =	sdelay $0x3  }
0x36: {  	p1 =	seq.s32 s10, $0x1;
	s10 =	sld [smem:$0x3FBA];
	_ =	sdelay $0x3  }
0x37: {  	[smem:$0x3FBA] =	sst s10  }
0x38: {  	s10 =	sld [smem:$0x3FBB]  }
0x39: {  	_ = 	snop;
	(pc) =	sbr.ind lr, $3  }
0x3a: {  	_ = 	snop  }
0x3b: {  	_ = 	snop  }
0x3c: {  	p2 =	seq.s32 s10, $0x1;
	s10 =	sld [smem:$0x3FBA]  }
0x3d: {  	_ =	shalt  }
0x3e: {  	_ =	shalt  }
0x3f: {  	_ =	shalt  }
0x40: {  	_ =	shalt  }
0x41: {  	_ =	shalt  }
0x42: {  	_ =	shalt  }
0x43: {  	_ =	shalt  }
0x44: {  	_ =	shalt  }
0x45: {  	_ =	shalt  }
0x46: {  	_ =	shalt  }
0x47: {  	_ =	shalt  }
0x48: {  	_ =	shalt  }
0x49: {  	_ =	shalt  }
0x4a: {  	_ =	shalt  }
0x4b: {  	_ =	shalt  }
0x4c: {  	_ =	shalt  }
0x4d: {  	_ =	shalt  }
0x4e: {  	_ =	shalt  }
0x4f: {  	_ =	shalt  }
0x50: {  	_ =	shalt  }
0x51: {  	_ =	shalt  }
0x52: {  	_ =	shalt  }
0x53: {  	_ =	shalt  }
0x54: {  	_ =	shalt  }
0x55: {  	_ =	shalt  }
0x56: {  	_ =	shalt  }
0x57: {  	_ =	shalt  }
0x58: {  	_ =	shalt  }
0x59: {  	_ =	shalt  }
0x5a: {  	_ =	shalt  }
0x5b: {  	_ =	shalt  }
0x5c: {  	_ =	shalt  }
0x5d: {  	_ =	shalt  }
0x5e: {  	_ =	shalt  }
0x5f: {  	_ =	shalt  }
0x60: {  	_ =	shalt  }
0x61: {  	_ =	shalt  }
0x62: {  	_ =	shalt  }
0x63: {  	_ =	shalt  }
0x64: {  	_ =	shalt  }
0x65: {  	_ =	shalt  }
0x66: {  	_ =	shalt  }
0x67: {  	_ =	shalt  }
0x68: {  	_ =	shalt  }
0x69: {  	_ =	shalt  }
0x6a: {  	_ =	shalt  }
0x6b: {  	_ =	shalt  }
0x6c: {  	_ =	shalt  }
0x6d: {  	_ =	shalt  }
0x6e: {  	_ =	shalt  }
0x6f: {  	_ =	shalt  }
0x70: {  	_ =	shalt  }
0x71: {  	_ =	shalt  }
0x72: {  	_ =	shalt  }
0x73: {  	_ =	shalt  }
0x74: {  	_ =	shalt  }
0x75: {  	_ =	shalt  }
0x76: {  	_ =	shalt  }
0x77: {  	_ =	shalt  }
0x78: {  	_ =	shalt  }
0x79: {  	_ =	shalt  }
0x7a: {  	_ =	shalt  }
0x7b: {  	_ =	shalt  }
0x7c: {  	_ =	shalt  }
0x7d: {  	_ =	shalt  }
0x7e: {  	_ =	shalt  }
0x7f: {  	_ =	shalt  }
0x80: {  	_ =	shalt  }
0x81: {  	_ =	shalt  }
0x82: {  	_ =	shalt  }
0x83: {  	_ =	shalt  }
0x84: {  	_ =	shalt  }
0x85: {  	_ =	shalt  }
0x86: {  	_ =	shalt  }
0x87: {  	_ =	shalt  }
.Lfunc_end0:
.L_simem_size_0:
called_computation_lowered:
.L_overlay_start_0:
0x88: {  	s2 =	sld [smem:$0x3FD9]  }
0x89: {  	s3 =	sld [smem:$0x3FFE];
	_ =	sdelay $0x1  }
0x8a: {  	s1 =	srdreg.scid  }
0x8b: {  	s0 =	sand.u32 $0x1, s1  }
0x8c: {  	s17 =	sshll.u32 s0, $0xA;
	s2 =	sadd.s32 s3, s2  }
0x8d: {  	s2 =	sadd.s32 s2, s17  }
0x8e: {  	[smem:$0x3FC6] =	sst s2  }
0x8f: {  	_ = 	snop  }
0x90: {  	s2 =	sld [smem:$0x3FC9]  }
0x91: {  	s18 =	sld [smem:$0x3FD0];
	(tm) =	ssettm $0x1  }
0x92: {  	s4 =	sld [smem:$0x3FFB];
	_ =	sdelay $0x3  }
0x93: {  	_ =	strace s4  }
0x94: {  	s4 =	sld [smem:$0x3FFC];
	_ =	sdelay $0x3  }
0x95: {  	_ =	strace s4  }
0x96: {  	s4 =	sld [smem:$0x3FFD];
	_ =	sdelay $0x3  }
0x97: {  	_ =	strace s4  }
0x98: {  	_ =	strace $0x8FFFFFFF  }
0x99: {  	s19 =	sld [smem:$0x3FDB];
	_ =	sdelay $0x1  }
0x9a: {  	s5 =	simm.s32 $_scs_section_size  }
0x9b: {  	s6 =	simm.s32 $_size__tile_overlayer_lowered;
	s7 =	simm.s32 $_tile_overlayer_lowered  }
0x9c: {  	s22 =	simm.s32 $0x1BFF;
	s21 =	sshll.u32 s7, $0x1;
	s4 =	sadd.s32 s5, s19  }
0x9d: {  	s8 =	simm.s32 $0x0;
	s20 =	sshll.u32 s6, $0x1;
	s6 =	sadd.s32 s21, s4  }
0x9e: {  	[timem:s8], [sflag:s22] =	dma.local [hbm:s6], s20  }
0x9f: {  	_ =	swait.ge [sflag:s22], s20  }
0xa0: {  	s5 =	ssub.s32 $0x0, s20;
	[sflag:s22] =	ssyncset.done $0x0  }
0xa1: {  	[sflag:s22] =	ssyncadd.s32 s5;
	_ =	sdelay $0x1  }
0xa2: {  	s23 =	simm.s32 $0x1B8B  }
0xa3: {  	_ =	swait.ge [sflag:s23], $0x1  }
0xa4: {  	[sflag:s23] =	ssyncset.done $0x0  }
0xa5: {  	s25 =	simm.s32 $0x1B8E;
	s24 =	sld [smem:$0x3FFE];
	[sflag:s23] =	ssyncadd.s32 $0xFFFFFFFF  }
0xa6: {  	s26 =	simm.s32 $execute0_lowered;
	[smem:$0x3FD2] =	sst s25  }
0xa7: {  	s6 =	sshll.u32 s26, $0x1;
	_ =	strace $0x80000046;
	[dreg:$0x1] =	wrdreg $0xFFFFFFFF  }
0xa8: {  	s28 =	simm.s32 $_size_execute0_lowered;
	s4 =	sadd.s32 s4, s6;
	[dreg:$0x0] =	wrdreg $0x0  }
0xa9: {  	s6 =	sshll.u32 s28, $0x1;
	[dreg:$0x2] =	wrdreg s4  }
0xaa: {  	[dreg:$0x3] =	wrdreg s6  }
0xab: {  	[dreg:$0x4] =	wrdreg $0xC0  }
0xac: {  	_ =	task [dreg:s8], $0x5FFFF  }
0xad: {  	[dreg:$0x1] =	wrdreg $0xFFFFFFFF  }
0xae: {  	[dreg:$0x0] =	wrdreg $0x60  }
0xaf: {  	[dreg:$0x2] =	wrdreg s24  }
0xb0: {  	[dreg:$0x3] =	wrdreg s2  }
0xb1: {  	[dreg:$0x4] =	wrdreg s18  }
0xb2: {  	[dreg:$0x5] =	wrdreg $0x9  }
0xb3: {  	_ =	task.clear_ibuf [dreg:s8], $0x6FFFF;
	_ =	strace $0x90000046  }
0xb4: {  	s29 =	simm.s32 $0x9;
	_ =	strace $0x80000048  }
0xb5: {  	_ =	swait.ge [sflag:s29], $0x1  }
0xb6: {  	[sflag:s29] =	ssyncadd.s32 $0xFFFFFFFF  }
0xb7: {  	_ =	strace $0x90000048  }
0xb8: {  	_ =	sfence  }
0xb9: {  	s30 =	sld [smem:$0x0];
	_ =	sdelay $0x2  }
0xba: {  	s31 =	sshll.u32 s1, $0xD;
	s1 =	sshrl.u32 s1, $0x2  }
0xbb: {  	s3 =	sand.u32 $0x4000, s31;
	s1 =	sadd.s32 s1, s30  }
0xbc: {  	s0 =	sor.u32 s3, s0;
	s1 =	sshll.u32 s1, $0x11  }
0xbd: {  	s0 =	sor.u32 s1, s0  }
0xbe: {  	s0 =	sadd.s32 $0x8F2B, s0  }
0xbf: {  	[sflag:s0] =	ssyncadd.remote.s32 $0x1  }
0xc0: {  	_ =	sfence.sel $0xFFFF  }
0xc1: {  	[dreg:$0x0] =	wrdreg $0xFFFFFFFF;
	(pc) =	sbr.abs _section_cstart, $3  }
0xc2: {  	[dreg:$0x1] =	wrdreg $0xFFFFFFFF  }
0xc3: {  	_ =	task.clear_ibuf [dreg:s8], $0x2FFFF;
	_ =	strace $0x9FFFFFFF  }
0xc4: {  	(tm) =	ssettm $0x7FFFFFFF  }
0xc5: {  	_ =	shalt  }
tec
execute0_lowered:
.L_overlay_start_1:
0x0: {  	(tag) =	ssettag $0x1  }
0x1: {  	s3 =	rddreg [dreg:$0x0]  }
0x2: {  	s4 =	rddreg [dreg:$0x1]  }
0x3: {  	s5 =	rddreg [dreg:$0x2];
	s2 =	simm.s32 $0x0  }
0x4: {  	s6 =	srdreg.scid;
	s1 =	stileid.u32;
	s10 =	simm.s32 $0x2  }
0x5: {  	s11 =	simm.s32 $0x0;
	[smem:$0x7FF] =	sst s2;
	s6 =	sand.u32 $0x1, s6  }
0x6: {  	s7 =	sshll.u32 s1, $0x1;
	s3 =	sadd.s32 $0x400, s3;
	s8 =	ssub.s32 $0x2, s6  }
0x7: {  	_ =	strace $0x80000047;
	s6 =	sor.u32 s6, s7;
	s31 =	sshrl.u32 s8, $0x1  }
0x8: {  	s9 =	sshll.u32 s6, $0x6;
	s6 =	sshll.u32 s6, $0x9;
	s7 =	ssub.s32 s8, s31  }
0x9: {  	v0 =	vlaneseq.u32;
	s4 =	sadd.s32 s4, s9;
	s5 =	sadd.s32 s5, s6;
	s8 =	simm.s32 $0x1  }
0xa: {  	v0 =	vmul.u32 $0x80, v0;
	s9 =	simm.s32 $0x200;
	s6 =	smax.u32 s7, $0x1;
	s7 =	simm.s32 $0x3  }
.LBB2_1:
0xb: {  	[tilespmem:s2], [sflag:$0x3] =	stream.linear.gather [hbm4b:s4+s2], $0x200, $0x38;
	[tilespmem:$0x10A00] =	vst v63  }
0xc: {  	_ =	swait.ge [sflag:s7], $0x200  }
0xd: {  	[sflag:s7] =	ssyncset.done $0x0  }
0xe: {  	[sflag:s7] =	ssyncadd.s32 $0xFFFFFE00  }
0xf: {  	v1 =	vld [tilespmem:s2+$0x0];
	_ =	sdelay $0x4  }
0x10: {  	v1 =	vshll.u32 v1, $0x4  }
0x11: {  	(v2sf) =	vpush v1, $0x0  }
0x12: {  	(v2sf) =	vpush v1, $0x1  }
0x13: {  	(v2sf) =	vpush v1, $0x2;
	_ =	sdelay $0x1  }
0x14: {  	(v2sf) =	vpush v1, $0x4;
	_ =	sdelay $0x1  }
0x15: {  	(v2sf) =	vpush v1, $0x3  }
0x16: {  	(v2sf) =	vpush v1, $0x5  }
0x17: {  	s13 =	simm.s32 $0x2000;
	s12 =	simm.s32 $0x0;
	s14 =	simm.s32 $0x0;
	(v2sf) =	vpush v1, $0x6  }
.LBB2_2:
0x18: {  	p0 =	sne.s32 s13, $0x3E000  }
0x19: {  	s24 =	sadd.s32 $0x280, s12;
	s18 =	sadd.s32 $0x780, s12;
	s15 =	smov.u32 s13  }
0x1a: {  	s13 =	sadd.s32 $0x2000, s13;
	s21 =	sadd.s32 $0x580, s12;
	s16 =	sadd.s32 $0x800, s12;
	(v2sf) =	vpush v1, $0x7  }
0x1b: {  	s23 =	sadd.s32 $0x480, s12;
	s20 =	sadd.s32 $0x600, s12;
	s17 =	sadd.s32 $0x880, s12  }
0x1c: {  	s25 =	sadd.s32 $0x200, s12;
	s26 =	sadd.s32 $0x400, s12;
	(v2sf) =	vpush v1, $0x8  }
0x1d: {  	s28 =	sadd.s32 $0x500, s12;
	s14 =	sadd.s32 $0x10, s14  }
0x1e: {  	s29 =	sadd.s32 $0x300, s12;
	s19 =	sadd.s32 $0x700, s12;
	s22 =	spop (v2sf);
	(v2sf) =	vpush v1, $0x9  }
0x1f: {  	s30 =	sand.u32 $0x1FFFFFF0, s22;
	s22 =	sadd.s32 $0x680, s12;
	s31 =	spop (v2sf)  }
0x20: {  	s30 =	sadd.s32 s3, s30;
	s31 =	sand.u32 $0x1FFFFFF0, s31;
	s0 =	spop (v2sf);
	(v2sf) =	vpush v1, $0xA  }
0x21: {  	[tilespmem:s25], [sflag:$0x1] =	stream.linear.gather [hbm4b:s30+s2], $0x80, $0x38;
	[tilespmem:$0x10A00] =	vst v63  }
0x22: {  	s25 =	sadd.s32 s3, s31;
	s30 =	sadd.s32 $0x380, s12;
	s31 =	spop (v2sf);
	(v2sf) =	vpush v1, $0xB  }
0x23: {  	[tilespmem:s24], [sflag:$0x1] =	stream.linear.gather [hbm4b:s25+s2], $0x80, $0x38;
	[tilespmem:$0x10A00] =	vst v63  }
0x24: {  	s0 =	sand.u32 $0x1FFFFFF0, s0;
	s24 =	sand.u32 $0x1FFFFFF0, s31;
	s25 =	spop (v2sf);
	(v2sf) =	vpush v1, $0xC  }
0x25: {  	s0 =	sadd.s32 s3, s0;
	s25 =	sand.u32 $0x1FFFFFF0, s25;
	s31 =	spop (v2sf)  }
0x26: {  	[tilespmem:s29], [sflag:$0x1] =	stream.linear.gather [hbm4b:s0+s2], $0x80, $0x38;
	(v2sf) =	vpush v1, $0xD;
	[tilespmem:$0x10A00] =	vst v63  }
0x27: {  	s0 =	sadd.s32 s3, s25;
	s25 =	sand.u32 $0x1FFFFFF0, s31;
	s29 =	spop (v2sf)  }
0x28: {  	[tilespmem:s30], [sflag:$0x1] =	stream.linear.gather [hbm4b:s0+s2], $0x80, $0x38;
	(v2sf) =	vpush v1, $0xE;
	[tilespmem:$0x10A00] =	vst v63  }
0x29: {  	s0 =	sadd.s32 s3, s24;
	s24 =	sand.u32 $0x1FFFFFF0, s29;
	s29 =	spop (v2sf)  }
0x2a: {  	[tilespmem:s26], [sflag:$0x1] =	stream.linear.gather [hbm4b:s0+s2], $0x80, $0x38;
	(v2sf) =	vpush v1, $0xF;
	[tilespmem:$0x10A00] =	vst v63  }
0x2b: {  	s0 =	sadd.s32 s3, s25;
	s25 =	sand.u32 $0x1FFFFFF0, s29;
	s26 =	spop (v2sf)  }
0x2c: {  	[tilespmem:s23], [sflag:$0x1] =	stream.linear.gather [hbm4b:s0+s2], $0x80, $0x38;
	[tilespmem:$0x10A00] =	vst v63  }
0x2d: {  	s0 =	sadd.s32 s3, s24;
	s23 =	sand.u32 $0x1FFFFFF0, s26;
	s24 =	spop (v2sf)  }
0x2e: {  	[tilespmem:s28], [sflag:$0x1] =	stream.linear.gather [hbm4b:s0+s2], $0x80, $0x38;
	[tilespmem:$0x10A00] =	vst v63  }
0x2f: {  	s0 =	sadd.s32 s3, s25;
	s24 =	sand.u32 $0x1FFFFFF0, s24;
	s25 =	spop (v2sf)  }
0x30: {  	[tilespmem:s21], [sflag:$0x1] =	stream.linear.gather [hbm4b:s0+s2], $0x80, $0x38;
	[tilespmem:$0x10A00] =	vst v63  }
0x31: {  	s0 =	sadd.s32 s3, s23;
	s21 =	sand.u32 $0x1FFFFFF0, s25;
	s23 =	spop (v2sf)  }
0x32: {  	[tilespmem:s20], [sflag:$0x1] =	stream.linear.gather [hbm4b:s0+s2], $0x80, $0x38;
	[tilespmem:$0x10A00] =	vst v63  }
0x33: {  	s0 =	sadd.s32 s3, s24;
	s20 =	sand.u32 $0x1FFFFFF0, s23;
	s23 =	spop (v2sf)  }
0x34: {  	[tilespmem:s22], [sflag:$0x1] =	stream.linear.gather [hbm4b:s0+s2], $0x80, $0x38;
	[tilespmem:$0x10A00] =	vst v63  }
0x35: {  	s0 =	sadd.s32 s3, s21;
	s21 =	sand.u32 $0x1FFFFFF0, s23;
	s22 =	spop (v2sf)  }
0x36: {  	[tilespmem:s19], [sflag:$0x1] =	stream.linear.gather [hbm4b:s0+s2], $0x80, $0x38;
	[tilespmem:$0x10A00] =	vst v63  }
0x37: {  	s0 =	sadd.s32 s3, s20;
	s19 =	sand.u32 $0x1FFFFFF0, s22;
	s20 =	spop (v2sf)  }
0x38: {  	[tilespmem:s18], [sflag:$0x1] =	stream.linear.gather [hbm4b:s0+s2], $0x80, $0x38;
	[tilespmem:$0x10A00] =	vst v63  }
0x39: {  	s0 =	sadd.s32 s3, s21;
	s18 =	sand.u32 $0x1FFFFFF0, s20;
	s20 =	spop (v2sf)  }
0x3a: {  	[tilespmem:s16], [sflag:$0x1] =	stream.linear.gather [hbm4b:s0+s2], $0x80, $0x38;
	[tilespmem:$0x10A00] =	vst v63  }
0x3b: {  	s0 =	sadd.s32 s3, s19;
	s16 =	sand.u32 $0x1FFFFFF0, s20  }
0x3c: {  	[tilespmem:s17], [sflag:$0x1] =	stream.linear.gather [hbm4b:s0+s2], $0x80, $0x38;
	[tilespmem:$0x10A00] =	vst v63  }
0x3d: {  	s0 =	sadd.s32 $0x900, s12;
	s17 =	sadd.s32 s3, s18  }
0x3e: {  	[tilespmem:s0], [sflag:$0x1] =	stream.linear.gather [hbm4b:s17+s2], $0x80, $0x38;
	[tilespmem:$0x10A00] =	vst v63  }
0x3f: {  	s0 =	sadd.s32 $0x980, s12;
	s12 =	sadd.s32 s3, s16  }
0x40: {  	[tilespmem:s0], [sflag:$0x1] =	stream.linear.gather [hbm4b:s12+s2], $0x80, $0x38;
	[tilespmem:$0x10A00] =	vst v63  }
0x41: {  	v1 =	vld [tilespmem:s14+$0x0];
	_ =	sdelay $0x4  }
0x42: {  	v1 =	vshll.u32 v1, $0x4  }
0x43: {  	(v2sf) =	vpush v1, $0x0  }
0x44: {  	(v2sf) =	vpush v1, $0x1  }
0x45: {  	(v2sf) =	vpush v1, $0x2;
	_ =	sdelay $0x1  }
0x46: {  	(v2sf) =	vpush v1, $0x4  }
.Ltmp0:
0x47: {  	(pc) =	sbr.rel @p0 .LBB2_2-.Ltmp0, $3  }
0x48: {  	(v2sf) =	vpush v1, $0x3  }
0x49: {  	(v2sf) =	vpush v1, $0x5;
	_ =	sdelay $0x1  }
0x4a: {  	s12 =	sshra.s32 s15, $0x2;
	(v2sf) =	vpush v1, $0x6  }
0x4b: {  	_ =	sdelay $0x1  }
0x4c: {  	s0 =	sadd.s32 $0x280, s12;
	s15 =	sadd.s32 $0x780, s12  }
0x4d: {  	s16 =	sadd.s32 $0x580, s12;
	s13 =	sadd.s32 $0x800, s12;
	(v2sf) =	vpush v1, $0x7;
	s17 =	sadd.s32 $0x480, s12  }
0x4e: {  	s18 =	sadd.s32 $0x600, s12;
	s14 =	sadd.s32 $0x880, s12;
	s19 =	sadd.s32 $0x200, s12  }
0x4f: {  	s20 =	sadd.s32 $0x400, s12;
	s21 =	sadd.s32 $0x500, s12;
	(v2sf) =	vpush v1, $0x8;
	s22 =	spop (v2sf)  }
0x50: {  	s23 =	sadd.s32 $0x300, s12;
	s22 =	sand.u32 $0x1FFFFFF0, s22;
	s24 =	spop (v2sf)  }
0x51: {  	(v2sf) =	vpush v1, $0x9;
	s22 =	sadd.s32 s3, s22;
	s24 =	sand.u32 $0x1FFFFFF0, s24;
	s25 =	spop (v2sf)  }
0x52: {  	[tilespmem:s19], [sflag:$0x1] =	stream.linear.gather [hbm4b:s22+s2], $0x80, $0x38;
	[tilespmem:$0x10A00] =	vst v63  }
0x53: {  	(v2sf) =	vpush v1, $0xA;
	s26 =	sadd.s32 s3, s24;
	s29 =	sand.u32 $0x1FFFFFF0, s25;
	s28 =	spop (v2sf)  }
0x54: {  	[tilespmem:s0], [sflag:$0x1] =	stream.linear.gather [hbm4b:s26+s2], $0x80, $0x38;
	[tilespmem:$0x10A00] =	vst v63  }
0x55: {  	s19 =	sadd.s32 $0x700, s12;
	(v2sf) =	vpush v1, $0xB;
	s22 =	sadd.s32 s3, s29;
	s30 =	spop (v2sf)  }
0x56: {  	s0 =	sadd.s32 $0x680, s12;
	s26 =	sadd.s32 $0x380, s12;
	s25 =	sand.u32 $0x1FFFFFF0, s30  }
0x57: {  	(v2sf) =	vpush v1, $0xC;
	[tilespmem:s23], [sflag:$0x1] =	stream.linear.gather [hbm4b:s22+s2], $0x80, $0x38;
	[tilespmem:$0x10A00] =	vst v63  }
0x58: {  	s31 =	sand.u32 $0x1FFFFFF0, s28;
	s28 =	spop (v2sf);
	s29 =	sadd.s32 s3, s25  }
0x59: {  	(v2sf) =	vpush v1, $0xD;
	[tilespmem:s26], [sflag:$0x1] =	stream.linear.gather [hbm4b:s29+s2], $0x80, $0x38;
	[tilespmem:$0x10A00] =	vst v63  }
0x5a: {  	s22 =	sadd.s32 s3, s31;
	s23 =	sand.u32 $0x1FFFFFF0, s28;
	s30 =	spop (v2sf)  }
0x5b: {  	(v2sf) =	vpush v1, $0xE;
	[tilespmem:s20], [sflag:$0x1] =	stream.linear.gather [hbm4b:s22+s2], $0x80, $0x38;
	[tilespmem:$0x10A00] =	vst v63  }
0x5c: {  	s23 =	sadd.s32 s3, s23;
	s31 =	sand.u32 $0x1FFFFFF0, s30;
	s24 =	spop (v2sf)  }
0x5d: {  	(v2sf) =	vpush v1, $0xF;
	[tilespmem:s17], [sflag:$0x1] =	stream.linear.gather [hbm4b:s23+s2], $0x80, $0x38;
	[tilespmem:$0x10A00] =	vst v63  }
0x5e: {  	s25 =	sand.u32 $0x1FFFFFF0, s24;
	s26 =	spop (v2sf);
	s20 =	sadd.s32 s3, s31  }
0x5f: {  	[tilespmem:s21], [sflag:$0x1] =	stream.linear.gather [hbm4b:s20+s2], $0x80, $0x38;
	[tilespmem:$0x10A00] =	vst v63  }
0x60: {  	s28 =	sand.u32 $0x1FFFFFF0, s26;
	s17 =	sadd.s32 s3, s25;
	s29 =	spop (v2sf)  }
0x61: {  	[tilespmem:s16], [sflag:$0x1] =	stream.linear.gather [hbm4b:s17+s2], $0x80, $0x38;
	[tilespmem:$0x10A00] =	vst v63  }
0x62: {  	s20 =	sadd.s32 s3, s28;
	s30 =	sand.u32 $0x1FFFFFF0, s29;
	s31 =	spop (v2sf)  }
0x63: {  	[tilespmem:s18], [sflag:$0x1] =	stream.linear.gather [hbm4b:s20+s2], $0x80, $0x38;
	[tilespmem:$0x10A00] =	vst v63  }
0x64: {  	s17 =	sand.u32 $0x1FFFFFF0, s31;
	s16 =	sadd.s32 s3, s30;
	s20 =	spop (v2sf)  }
0x65: {  	[tilespmem:s0], [sflag:$0x1] =	stream.linear.gather [hbm4b:s16+s2], $0x80, $0x38;
	[tilespmem:$0x10A00] =	vst v63  }
0x66: {  	s17 =	sadd.s32 s3, s17;
	s21 =	sand.u32 $0x1FFFFFF0, s20;
	s22 =	spop (v2sf)  }
0x67: {  	[tilespmem:s19], [sflag:$0x1] =	stream.linear.gather [hbm4b:s17+s2], $0x80, $0x38;
	[tilespmem:$0x10A00] =	vst v63  }
0x68: {  	s0 =	sadd.s32 s3, s21;
	s16 =	sand.u32 $0x1FFFFFF0, s22;
	s23 =	spop (v2sf)  }
0x69: {  	[tilespmem:s15], [sflag:$0x1] =	stream.linear.gather [hbm4b:s0+s2], $0x80, $0x38;
	[tilespmem:$0x10A00] =	vst v63  }
0x6a: {  	s24 =	sand.u32 $0x1FFFFFF0, s23;
	s16 =	sadd.s32 s3, s16;
	s25 =	spop (v2sf)  }
0x6b: {  	[tilespmem:s13], [sflag:$0x1] =	stream.linear.gather [hbm4b:s16+s2], $0x80, $0x38;
	[tilespmem:$0x10A00] =	vst v63  }
0x6c: {  	s26 =	sand.u32 $0x1FFFFFF0, s25;
	s28 =	spop (v2sf);
	s0 =	sadd.s32 s3, s24  }
0x6d: {  	[tilespmem:s14], [sflag:$0x1] =	stream.linear.gather [hbm4b:s0+s2], $0x80, $0x38;
	[tilespmem:$0x10A00] =	vst v63  }
0x6e: {  	s30 =	sadd.s32 $0x900, s12;
	s29 =	sand.u32 $0x1FFFFFF0, s28;
	s13 =	sadd.s32 s3, s26  }
0x6f: {  	[tilespmem:s30], [sflag:$0x1] =	stream.linear.gather [hbm4b:s13+s2], $0x80, $0x38;
	[tilespmem:$0x10A00] =	vst v63  }
0x70: {  	s31 =	sadd.s32 $0x980, s12;
	s0 =	sadd.s32 s3, s29  }
0x71: {  	[tilespmem:s31], [sflag:$0x1] =	stream.linear.gather [hbm4b:s0+s2], $0x80, $0x38;
	[tilespmem:$0x10A00] =	vst v63  }
0x72: {  	_ =	swait.ge [sflag:s8], $0x10000  }
0x73: {  	s12 =	simm.s32 $0x0;
	[sflag:s8] =	ssyncset.done $0x0  }
0x74: {  	s14 =	simm.s32 $0x0;
	s13 =	simm.s32 $0x0;
	[sflag:s8] =	ssyncadd.s32 $0xFFFF0000  }
.LBB2_4:
0x75: {  	s15 =	sand.u32 $0x180, s12  }
0x76: {  	v1 =	vmov s15  }
0x77: {  	s16 =	sand.u32 $0x7, s14;
	v1 =	vshll.u32 v1, $0x7  }
0x78: {  	s18 =	sshll.u32 s16, $0x3;
	v1 =	vor.u32 v0, v1  }
0x79: {  	p0 =	slt.u32 s14, $0x2;
	v2 =	vor.u32 s18, v1  }
0x7a: {  	s0 =	simm.s32 @!p0 $0x2  }
0x7b: {  	s17 =	sor.u32 $0x10, s15;
	_ =	swait.ge @!p0 [sflag:s0], $0x400  }
0x7c: {  	v3 =	vmov s17;
	[sflag:s0] =	ssyncset.done @!p0 $0x0  }
0x7d: {  	v3 =	vshll.u32 v3, $0x7;
	[sflag:s0] =	ssyncadd.s32 @!p0 $0xFFFFFC00  }
0x7e: {  	v4 =	vld.idx.msk [tilespmem:v2+s9+$0x0], $0xffff;
	v2 =	vor.u32 v0, v3  }
0x7f: {  	v3 =	vor.u32 s18, v2;
	_ =	sdelay $0x1  }
0x80: {  	s29 =	sor.u32 $0x20, s15  }
0x81: {  	s17 =	sand.u32 $0x400, s13;
	v5 =	vmov s29  }
0x82: {  	v54 =	vshll.u32 v5, $0x7;
	[tilespmem:s17+$0x10200] =	vst v4  }
0x83: {  	v55 =	vld.idx.msk [tilespmem:v3+s9+$0x0], $0xffff;
	v3 =	vor.u32 v0, v54  }
0x84: {  	v4 =	vor.u32 s18, v3;
	_ =	sdelay $0x1  }
0x85: {  	s30 =	sor.u32 $0x30, s15  }
0x86: {  	v6 =	vmov s30  }
0x87: {  	v56 =	vshll.u32 v6, $0x7;
	[tilespmem:s17+$0x10210] =	vst v55  }
0x88: {  	v57 =	vld.idx.msk [tilespmem:v4+s9+$0x0], $0xffff;
	v4 =	vor.u32 v0, v56  }
0x89: {  	v5 =	vor.u32 s18, v4;
	_ =	sdelay $0x1  }
0x8a: {  	s31 =	sor.u32 $0x40, s15  }
0x8b: {  	v7 =	vmov s31  }
0x8c: {  	v58 =	vshll.u32 v7, $0x7;
	[tilespmem:s17+$0x10220] =	vst v57  }
0x8d: {  	v59 =	vld.idx.msk [tilespmem:v5+s9+$0x0], $0xffff;
	v5 =	vor.u32 v0, v58  }
0x8e: {  	v6 =	vor.u32 s18, v5;
	_ =	sdelay $0x1  }
0x8f: {  	s19 =	sor.u32 $0x50, s15  }
0x90: {  	v8 =	vmov s19  }
0x91: {  	v60 =	vshll.u32 v8, $0x7;
	[tilespmem:s17+$0x10230] =	vst v59  }
0x92: {  	v61 =	vld.idx.msk [tilespmem:v6+s9+$0x0], $0xffff;
	v6 =	vor.u32 v0, v60  }
0x93: {  	v7 =	vor.u32 s18, v6;
	_ =	sdelay $0x1  }
0x94: {  	s20 =	sor.u32 $0x60, s15  }
0x95: {  	v9 =	vmov s20  }
0x96: {  	v62 =	vshll.u32 v9, $0x7;
	[tilespmem:s17+$0x10240] =	vst v61  }
0x97: {  	v12 =	vor.u32 v0, v62;
	v63 =	vld.idx.msk [tilespmem:v7+s9+$0x0], $0xffff  }
0x98: {  	v8 =	vor.u32 s18, v12;
	_ =	sdelay $0x1  }
0x99: {  	s21 =	sor.u32 $0x70, s12  }
0x9a: {  	v10 =	vmov s21  }
0x9b: {  	v13 =	vshll.u32 v10, $0x7;
	[tilespmem:s17+$0x10250] =	vst v63  }
0x9c: {  	v15 =	vor.u32 v0, v13;
	v14 =	vld.idx.msk [tilespmem:v8+s9+$0x0], $0xffff  }
0x9d: {  	v9 =	vor.u32 s18, v15;
	_ =	sdelay $0x3  }
0x9e: {  	[tilespmem:s17+$0x10260] =	vst v14  }
0x9f: {  	s22 =	sor.u32 $0x1, s18;
	v9 =	vld.idx.msk [tilespmem:v9+s9+$0x0], $0xffff  }
0xa0: {  	v16 =	vor.u32 s22, v1;
	_ =	sdelay $0x3  }
0xa1: {  	[tilespmem:s17+$0x10270] =	vst v9  }
0xa2: {  	v9 =	vld.idx.msk [tilespmem:v16+s9+$0x0], $0xffff  }
0xa3: {  	v17 =	vor.u32 s22, v2;
	_ =	sdelay $0x3  }
0xa4: {  	[tilespmem:s17+$0x10280] =	vst v9  }
0xa5: {  	v9 =	vld.idx.msk [tilespmem:v17+s9+$0x0], $0xffff  }
0xa6: {  	v18 =	vor.u32 s22, v3;
	_ =	sdelay $0x3  }
0xa7: {  	[tilespmem:s17+$0x10290] =	vst v9  }
0xa8: {  	v9 =	vld.idx.msk [tilespmem:v18+s9+$0x0], $0xffff  }
0xa9: {  	v19 =	vor.u32 s22, v4;
	_ =	sdelay $0x3  }
0xaa: {  	[tilespmem:s17+$0x102A0] =	vst v9  }
0xab: {  	v9 =	vld.idx.msk [tilespmem:v19+s9+$0x0], $0xffff  }
0xac: {  	v20 =	vor.u32 s22, v5;
	_ =	sdelay $0x3  }
0xad: {  	[tilespmem:s17+$0x102B0] =	vst v9  }
0xae: {  	v9 =	vld.idx.msk [tilespmem:v20+s9+$0x0], $0xffff  }
0xaf: {  	v21 =	vor.u32 s22, v6;
	_ =	sdelay $0x3  }
0xb0: {  	[tilespmem:s17+$0x102C0] =	vst v9  }
0xb1: {  	v9 =	vld.idx.msk [tilespmem:v21+s9+$0x0], $0xffff  }
0xb2: {  	v22 =	vor.u32 s22, v12;
	_ =	sdelay $0x3  }
0xb3: {  	[tilespmem:s17+$0x102D0] =	vst v9  }
0xb4: {  	v9 =	vld.idx.msk [tilespmem:v22+s9+$0x0], $0xffff  }
0xb5: {  	v23 =	vor.u32 s22, v15;
	_ =	sdelay $0x3  }
0xb6: {  	[tilespmem:s17+$0x102E0] =	vst v9  }
0xb7: {  	s23 =	sor.u32 $0x2, s18;
	v9 =	vld.idx.msk [tilespmem:v23+s9+$0x0], $0xffff  }
0xb8: {  	v24 =	vor.u32 s23, v1;
	_ =	sdelay $0x3  }
0xb9: {  	[tilespmem:s17+$0x102F0] =	vst v9  }
0xba: {  	v9 =	vld.idx.msk [tilespmem:v24+s9+$0x0], $0xffff  }
0xbb: {  	v25 =	vor.u32 s23, v2;
	_ =	sdelay $0x3  }
0xbc: {  	[tilespmem:s17+$0x10300] =	vst v9  }
0xbd: {  	v9 =	vld.idx.msk [tilespmem:v25+s9+$0x0], $0xffff  }
0xbe: {  	v26 =	vor.u32 s23, v3;
	_ =	sdelay $0x3  }
0xbf: {  	[tilespmem:s17+$0x10310] =	vst v9  }
0xc0: {  	v9 =	vld.idx.msk [tilespmem:v26+s9+$0x0], $0xffff  }
0xc1: {  	v27 =	vor.u32 s23, v4;
	_ =	sdelay $0x3  }
0xc2: {  	[tilespmem:s17+$0x10320] =	vst v9  }
0xc3: {  	v9 =	vld.idx.msk [tilespmem:v27+s9+$0x0], $0xffff  }
0xc4: {  	v28 =	vor.u32 s23, v5;
	_ =	sdelay $0x3  }
0xc5: {  	[tilespmem:s17+$0x10330] =	vst v9  }
0xc6: {  	v9 =	vld.idx.msk [tilespmem:v28+s9+$0x0], $0xffff  }
0xc7: {  	v29 =	vor.u32 s23, v6;
	_ =	sdelay $0x3  }
0xc8: {  	[tilespmem:s17+$0x10340] =	vst v9  }
0xc9: {  	v9 =	vld.idx.msk [tilespmem:v29+s9+$0x0], $0xffff  }
0xca: {  	v30 =	vor.u32 s23, v12;
	_ =	sdelay $0x3  }
0xcb: {  	[tilespmem:s17+$0x10350] =	vst v9  }
0xcc: {  	v9 =	vld.idx.msk [tilespmem:v30+s9+$0x0], $0xffff  }
0xcd: {  	v31 =	vor.u32 s23, v15;
	_ =	sdelay $0x3  }
0xce: {  	[tilespmem:s17+$0x10360] =	vst v9  }
0xcf: {  	s24 =	sor.u32 $0x3, s18;
	v9 =	vld.idx.msk [tilespmem:v31+s9+$0x0], $0xffff  }
0xd0: {  	v32 =	vor.u32 s24, v1;
	_ =	sdelay $0x3  }
0xd1: {  	[tilespmem:s17+$0x10370] =	vst v9  }
0xd2: {  	v9 =	vld.idx.msk [tilespmem:v32+s9+$0x0], $0xffff  }
0xd3: {  	v33 =	vor.u32 s24, v2;
	_ =	sdelay $0x3  }
0xd4: {  	[tilespmem:s17+$0x10380] =	vst v9  }
0xd5: {  	v9 =	vld.idx.msk [tilespmem:v33+s9+$0x0], $0xffff  }
0xd6: {  	v34 =	vor.u32 s24, v3;
	_ =	sdelay $0x3  }
0xd7: {  	[tilespmem:s17+$0x10390] =	vst v9  }
0xd8: {  	v9 =	vld.idx.msk [tilespmem:v34+s9+$0x0], $0xffff  }
0xd9: {  	v35 =	vor.u32 s24, v4;
	_ =	sdelay $0x3  }
0xda: {  	[tilespmem:s17+$0x103A0] =	vst v9  }
0xdb: {  	v9 =	vld.idx.msk [tilespmem:v35+s9+$0x0], $0xffff  }
0xdc: {  	v36 =	vor.u32 s24, v5;
	_ =	sdelay $0x3  }
0xdd: {  	[tilespmem:s17+$0x103B0] =	vst v9  }
0xde: {  	v9 =	vld.idx.msk [tilespmem:v36+s9+$0x0], $0xffff  }
0xdf: {  	v37 =	vor.u32 s24, v6;
	_ =	sdelay $0x3  }
0xe0: {  	[tilespmem:s17+$0x103C0] =	vst v9  }
0xe1: {  	v9 =	vld.idx.msk [tilespmem:v37+s9+$0x0], $0xffff  }
0xe2: {  	v38 =	vor.u32 s24, v12;
	_ =	sdelay $0x3  }
0xe3: {  	[tilespmem:s17+$0x103D0] =	vst v9  }
0xe4: {  	v9 =	vld.idx.msk [tilespmem:v38+s9+$0x0], $0xffff  }
0xe5: {  	v39 =	vor.u32 s24, v15;
	_ =	sdelay $0x3  }
0xe6: {  	[tilespmem:s17+$0x103E0] =	vst v9  }
0xe7: {  	s25 =	sor.u32 $0x4, s18;
	v9 =	vld.idx.msk [tilespmem:v39+s9+$0x0], $0xffff  }
0xe8: {  	v40 =	vor.u32 s25, v1;
	_ =	sdelay $0x3  }
0xe9: {  	[tilespmem:s17+$0x103F0] =	vst v9  }
0xea: {  	v9 =	vld.idx.msk [tilespmem:v40+s9+$0x0], $0xffff  }
0xeb: {  	v41 =	vor.u32 s25, v2;
	_ =	sdelay $0x3  }
0xec: {  	[tilespmem:s17+$0x10400] =	vst v9  }
0xed: {  	v9 =	vld.idx.msk [tilespmem:v41+s9+$0x0], $0xffff  }
0xee: {  	v42 =	vor.u32 s25, v3;
	_ =	sdelay $0x3  }
0xef: {  	[tilespmem:s17+$0x10410] =	vst v9  }
0xf0: {  	v9 =	vld.idx.msk [tilespmem:v42+s9+$0x0], $0xffff  }
0xf1: {  	v43 =	vor.u32 s25, v4;
	_ =	sdelay $0x3  }
0xf2: {  	[tilespmem:s17+$0x10420] =	vst v9  }
0xf3: {  	v9 =	vld.idx.msk [tilespmem:v43+s9+$0x0], $0xffff  }
0xf4: {  	v44 =	vor.u32 s25, v5;
	_ =	sdelay $0x3  }
0xf5: {  	[tilespmem:s17+$0x10430] =	vst v9  }
0xf6: {  	v9 =	vld.idx.msk [tilespmem:v44+s9+$0x0], $0xffff  }
0xf7: {  	v45 =	vor.u32 s25, v6;
	_ =	sdelay $0x3  }
0xf8: {  	[tilespmem:s17+$0x10440] =	vst v9  }
0xf9: {  	v9 =	vld.idx.msk [tilespmem:v45+s9+$0x0], $0xffff  }
0xfa: {  	v46 =	vor.u32 s25, v12;
	_ =	sdelay $0x3  }
0xfb: {  	[tilespmem:s17+$0x10450] =	vst v9  }
0xfc: {  	v9 =	vld.idx.msk [tilespmem:v46+s9+$0x0], $0xffff  }
0xfd: {  	v47 =	vor.u32 s25, v15;
	_ =	sdelay $0x3  }
0xfe: {  	[tilespmem:s17+$0x10460] =	vst v9  }
0xff: {  	s26 =	sor.u32 $0x5, s18;
	v9 =	vld.idx.msk [tilespmem:v47+s9+$0x0], $0xffff  }
0x100: {  	v48 =	vor.u32 s26, v1;
	_ =	sdelay $0x3  }
0x101: {  	[tilespmem:s17+$0x10470] =	vst v9  }
0x102: {  	v9 =	vld.idx.msk [tilespmem:v48+s9+$0x0], $0xffff  }
0x103: {  	v49 =	vor.u32 s26, v2;
	_ =	sdelay $0x3  }
0x104: {  	[tilespmem:s17+$0x10480] =	vst v9  }
0x105: {  	v9 =	vld.idx.msk [tilespmem:v49+s9+$0x0], $0xffff  }
0x106: {  	v50 =	vor.u32 s26, v3;
	_ =	sdelay $0x3  }
0x107: {  	[tilespmem:s17+$0x10490] =	vst v9  }
0x108: {  	v9 =	vld.idx.msk [tilespmem:v50+s9+$0x0], $0xffff  }
0x109: {  	v51 =	vor.u32 s26, v4;
	_ =	sdelay $0x3  }
0x10a: {  	[tilespmem:s17+$0x104A0] =	vst v9  }
0x10b: {  	v9 =	vld.idx.msk [tilespmem:v51+s9+$0x0], $0xffff  }
0x10c: {  	v52 =	vor.u32 s26, v5;
	_ =	sdelay $0x3  }
0x10d: {  	[tilespmem:s17+$0x104B0] =	vst v9  }
0x10e: {  	v9 =	vld.idx.msk [tilespmem:v52+s9+$0x0], $0xffff  }
0x10f: {  	v53 =	vor.u32 s26, v6;
	_ =	sdelay $0x3  }
0x110: {  	[tilespmem:s17+$0x104C0] =	vst v9  }
0x111: {  	v9 =	vld.idx.msk [tilespmem:v53+s9+$0x0], $0xffff  }
0x112: {  	v54 =	vor.u32 s26, v12;
	_ =	sdelay $0x3  }
0x113: {  	[tilespmem:s17+$0x104D0] =	vst v9  }
0x114: {  	v9 =	vld.idx.msk [tilespmem:v54+s9+$0x0], $0xffff  }
0x115: {  	v55 =	vor.u32 s26, v15;
	_ =	sdelay $0x3  }
0x116: {  	[tilespmem:s17+$0x104E0] =	vst v9  }
0x117: {  	s28 =	sor.u32 $0x6, s18;
	v9 =	vld.idx.msk [tilespmem:v55+s9+$0x0], $0xffff  }
0x118: {  	v56 =	vor.u32 s28, v1;
	_ =	sdelay $0x3  }
0x119: {  	[tilespmem:s17+$0x104F0] =	vst v9  }
0x11a: {  	v9 =	vld.idx.msk [tilespmem:v56+s9+$0x0], $0xffff  }
0x11b: {  	v57 =	vor.u32 s28, v2;
	_ =	sdelay $0x3  }
0x11c: {  	[tilespmem:s17+$0x10500] =	vst v9  }
0x11d: {  	v9 =	vld.idx.msk [tilespmem:v57+s9+$0x0], $0xffff  }
0x11e: {  	v58 =	vor.u32 s28, v3;
	_ =	sdelay $0x3  }
0x11f: {  	[tilespmem:s17+$0x10510] =	vst v9  }
0x120: {  	v9 =	vld.idx.msk [tilespmem:v58+s9+$0x0], $0xffff  }
0x121: {  	v59 =	vor.u32 s28, v4;
	_ =	sdelay $0x3  }
0x122: {  	[tilespmem:s17+$0x10520] =	vst v9  }
0x123: {  	v9 =	vld.idx.msk [tilespmem:v59+s9+$0x0], $0xffff  }
0x124: {  	v60 =	vor.u32 s28, v5;
	_ =	sdelay $0x3  }
0x125: {  	[tilespmem:s17+$0x10530] =	vst v9  }
0x126: {  	v9 =	vld.idx.msk [tilespmem:v60+s9+$0x0], $0xffff  }
0x127: {  	v61 =	vor.u32 s28, v6;
	_ =	sdelay $0x3  }
0x128: {  	[tilespmem:s17+$0x10540] =	vst v9  }
0x129: {  	v9 =	vld.idx.msk [tilespmem:v61+s9+$0x0], $0xffff  }
0x12a: {  	v62 =	vor.u32 s28, v12;
	_ =	sdelay $0x3  }
0x12b: {  	[tilespmem:s17+$0x10550] =	vst v9  }
0x12c: {  	v9 =	vld.idx.msk [tilespmem:v62+s9+$0x0], $0xffff  }
0x12d: {  	v63 =	vor.u32 s28, v15;
	_ =	sdelay $0x3  }
0x12e: {  	[tilespmem:s17+$0x10560] =	vst v9  }
0x12f: {  	s29 =	sshllo.u32 s16, $0x3;
	v9 =	vld.idx.msk [tilespmem:v63+s9+$0x0], $0xffff  }
0x130: {  	v1 =	vor.u32 s29, v1;
	_ =	sdelay $0x3  }
0x131: {  	[tilespmem:s17+$0x10570] =	vst v9  }
0x132: {  	v1 =	vld.idx.msk [tilespmem:v1+s9+$0x0], $0xffff  }
0x133: {  	v2 =	vor.u32 s29, v2;
	_ =	sdelay $0x3  }
0x134: {  	[tilespmem:s17+$0x10580] =	vst v1  }
0x135: {  	v1 =	vld.idx.msk [tilespmem:v2+s9+$0x0], $0xffff  }
0x136: {  	v2 =	vor.u32 s29, v3;
	_ =	sdelay $0x3  }
0x137: {  	[tilespmem:s17+$0x10590] =	vst v1  }
0x138: {  	v1 =	vld.idx.msk [tilespmem:v2+s9+$0x0], $0xffff  }
0x139: {  	v2 =	vor.u32 s29, v4;
	_ =	sdelay $0x3  }
0x13a: {  	[tilespmem:s17+$0x105A0] =	vst v1  }
0x13b: {  	v1 =	vld.idx.msk [tilespmem:v2+s9+$0x0], $0xffff  }
0x13c: {  	v2 =	vor.u32 s29, v5;
	_ =	sdelay $0x3  }
0x13d: {  	[tilespmem:s17+$0x105B0] =	vst v1  }
0x13e: {  	v1 =	vld.idx.msk [tilespmem:v2+s9+$0x0], $0xffff  }
0x13f: {  	v2 =	vor.u32 s29, v6;
	_ =	sdelay $0x3  }
0x140: {  	[tilespmem:s17+$0x105C0] =	vst v1  }
0x141: {  	v1 =	vld.idx.msk [tilespmem:v2+s9+$0x0], $0xffff  }
0x142: {  	v2 =	vor.u32 s29, v12;
	_ =	sdelay $0x3  }
0x143: {  	[tilespmem:s17+$0x105D0] =	vst v1  }
0x144: {  	v1 =	vld.idx.msk [tilespmem:v2+s9+$0x0], $0xffff  }
0x145: {  	v2 =	vor.u32 s29, v15;
	_ =	sdelay $0x3  }
0x146: {  	[tilespmem:s17+$0x105E0] =	vst v1  }
0x147: {  	s14 =	sadd.s32 $0x1, s14;
	v1 =	vld.idx.msk [tilespmem:v2+s9+$0x0], $0xffff  }
0x148: {  	p0 =	sne.s32 s14, $0x20  }
.Ltmp1:
0x149: {  	_ = 	snop;
	(pc) =	sbr.rel @p0 .LBB2_4-.Ltmp1, $4  }
0x14a: {  	s30 =	sshll.u32 s16, $0xE  }
0x14b: {  	s12 =	sadd.s32 $0x10, s12;
	s0 =	sadd.s32 s30, s5  }
0x14c: {  	s13 =	sadd.s32 $0x400, s13;
	s31 =	sor.u32 $0x10200, s17;
	s0 =	sadd.s32 s15, s0;
	[tilespmem:s17+$0x105F0] =	vst v1  }
0x14d: {  	[hbm4b:s0+s2] =	stream.linear.scatter [tilespmem:s31], [sflag:$0x2], $0x400, $0x38;
	[tilespmem:$0x10A00] =	vst v63  }
0x14e: {  	s11 =	sadd.s32 $0x1, s11  }
0x14f: {  	_ =	swait.ge [sflag:s10], $0x400;
	p0 =	sne.s32 s11, s6  }
.Ltmp2:
0x150: {  	[sflag:s10] =	ssyncset.done $0x0;
	(pc) =	sbr.rel @p0 .LBB2_1-.Ltmp2, $4  }
0x151: {  	[sflag:s10] =	ssyncadd.s32 $0xFFFFFC00  }
0x152: {  	_ =	swait.ge [sflag:s10], $0x400  }
0x153: {  	[sflag:s10] =	ssyncset.done $0x0  }
0x154: {  	[sflag:s10] =	ssyncadd.s32 $0xFFFFFC00  }
0x155: {  	_ =	sfence.sel $0x180000  }
0x156: {  	[bflag:$0x0] =	sbarrier.arrive $0xFFFF  }
0x157: {  	_ =	strace $0x90000047  }
0x158: {  	[bflag:$0x2] =	sbarrier.arrive $0xFFFF  }
0x159: {  	p0 =	sne.s32 s1, $0x0;
	s0 =	rddreg [dreg:$0x3]  }
0x15a: {  	s0 =	sadd.s32 @!p0 $0x100000, s0  }
0x15b: {  	[sflag:s0] =	ssyncadd.tile.s32 @!p0 $0x1;
	_ =	shalt  }
.Lfunc_end2:
_tile_overlayer_lowered:
.L_overlay_start_2:
0x15c: {  	(tag) =	ssettag $0x2  }
0x15d: {  	s0 =	rddreg [dreg:$0x0];
	s2 =	stileid.u32  }
0x15e: {  	s1 =	rddreg [dreg:$0x1];
	p0 =	sne.s32 s2, $0x0  }
0x15f: {  	s3 =	rddreg [dreg:$0x2];
	[bflag:$0x3] =	sbarrier.arrive $0xFFFF;
	s2 =	simm.s32 @!p0 $0x1C03  }
0x160: {  	[timem:s3], [sflag:s2] =	dma.local @!p0 [hbm:s0], s1  }
0x161: {  	s0 =	simm.s32 @!p0 $0x3  }
0x162: {  	_ =	swait.ge @!p0 [sflag:s0], s1  }
0x163: {  	s1 =	ssub.s32 @!p0 $0x0, s1;
	[sflag:s0] =	ssyncset.done @!p0 $0x0  }
0x164: {  	[sflag:s0] =	ssyncadd.s32 @!p0 s1  }
0x165: {  	[bflag:$0x3] =	sbarrier.arrive $0xFFFF  }
0x166: {  	_ =	shalt  }

</sc_bundles>
